<compile_context>
chip_gen: v7x
topology: tpu7x:2x2x1
jax: 0.10.2.dev20260603
libtpu: 0.0.44.dev20260713+nightly
codegen_flags: <defaults>
</compile_context>

<pallas_src>
import functools

import jax
import jax.numpy as jnp
from jax import lax
from jax.experimental import pallas as pl
from jax.experimental.pallas import tpu as pltpu
from jax.experimental.pallas import tpu_sc as plsc

_NC = 2
_NS = 16
_NW = _NC * _NS
_L16 = 16


def _make_gather(b: int, l: int, vocab: int, d: int):
    mesh = plsc.VectorSubcoreMesh(core_axis_name="c", subcore_axis_name="s")
    bpw = b // _NW
    nfull = d // 128
    tail = d - nfull * 128

    @functools.partial(
        pl.kernel,
        mesh=mesh,
        out_type=jax.ShapeDtypeStruct((b, l, d), jnp.float32),
        scratch_types=[
            pltpu.VMEM((bpw, l), jnp.int32),
            pltpu.VMEM((l, d), jnp.float32),
            pltpu.VMEM((l, d), jnp.float32),
            pltpu.VMEM((l, 128), jnp.float32),
            pltpu.SemaphoreType.DMA,
            pltpu.SemaphoreType.DMA,
            pltpu.SemaphoreType.DMA,
            pltpu.SemaphoreType.DMA,
            pltpu.SemaphoreType.DMA,
        ],
        compiler_params=pltpu.CompilerParams(needs_layout_passes=False),
    )
    def body(idx_hbm, table_hbm, tailt_hbm, out_hbm,
             idx_v, buf0, buf1, tbuf, g0, g1, ts, w0, w1):
        bufs = (buf0, buf1)
        gsem = (g0, g1)
        wsem = (w0, w1)
        wid = lax.axis_index("s") * _NC + lax.axis_index("c")
        base = wid * bpw
        pltpu.sync_copy(idx_hbm.at[wid], idx_v)

        lanes = lax.iota(jnp.int32, _L16)
        rem_src = jnp.where(lanes < 8, 128 - 8 + lanes, 128 - _L16 + lanes)
        rem_dst = jnp.where(lanes < 8, d - 8 + lanes, d - _L16 + lanes)

        def fire(c, buf):
            for j in range(nfull):
                pltpu.async_copy(
                    table_hbm.at[idx_v.at[c], pl.ds(j * 128, 128)],
                    buf.at[:, pl.ds(j * 128, 128)], gsem[buf is buf1])
            pltpu.async_copy(tailt_hbm.at[idx_v.at[c]], tbuf, ts)

        def make_blit(buf):
            def blit(r, carry2):
                for k in range(tail // _L16):
                    buf[r, pl.ds(nfull * 128 + k * _L16, _L16)] = (
                        tbuf[r, pl.ds(128 - tail + k * _L16, _L16)])
                if tail % _L16:
                    rfull = jnp.full((_L16,), r, jnp.int32)
                    vals = plsc.load_gather(tbuf, [rfull, rem_src])
                    plsc.store_scatter(buf, [rfull, rem_dst], vals)
                return carry2
            return blit

        fire(0, bufs[0])

        def pair(i, carry):
            for k in range(2):
                c = 2 * i + k
                nk = 1 - k
                pltpu.make_async_copy(tailt_hbm.at[idx_v.at[c]], tbuf, ts).wait()
                lax.fori_loop(0, l, make_blit(bufs[k]), 0)
                for j in range(nfull):
                    pltpu.make_async_copy(
                        table_hbm.at[idx_v.at[c], pl.ds(j * 128, 128)],
                        bufs[k].at[:, pl.ds(j * 128, 128)], gsem[k]).wait()

                @pl.when(c >= 1)
                def _():
                    pltpu.make_async_copy(
                        bufs[nk], out_hbm.at[base + c - 1], wsem[nk]).wait()

                @pl.when(c + 1 < bpw)
                def _():
                    fire(c + 1, bufs[nk])

                pltpu.async_copy(bufs[k], out_hbm.at[base + c], wsem[k])
            return carry

        lax.fori_loop(0, bpw // 2, pair, 0)

        c = bpw - 1
        pltpu.make_async_copy(
            bufs[c % 2], out_hbm.at[base + c], wsem[c % 2]).wait()

    return body


def kernel(idx, embed):
    b, l = idx.shape
    vocab, d = embed.shape
    assert b % (2 * _NW) == 0 and d > 128
    idx_r = idx.reshape(_NW, b // _NW, l).astype(jnp.int32)
    tail_table = embed[:, d - 128:]
    out = _make_gather(b, l, vocab, d)(idx_r, embed, tail_table)
    return lax.optimization_barrier(out)

# --- scband reference (transcript-rebuilt; emitter-appended) ---
"""Pipeline reference for scband-bigram-model-73065983639742 (READ-ONLY COPY).

The authoritative reference and input builder live on the scoring server;
editing this copy changes nothing except your own understanding.
"""

import jax, jax.numpy as jnp
import numpy as np

VOCAB = 1000
B = 1024
L = 50

def setup_inputs(seed: int = 0) -> dict:
    key = jax.random.key(seed)
    k_idx, k_emb = jax.random.split(key)
    idx = jax.random.randint(k_idx, (B, L), 0, VOCAB, dtype=jnp.int64 if jax.config.jax_enable_x64 else jnp.int32)
    embed = jax.random.normal(k_emb, (VOCAB, VOCAB), dtype=jnp.float32) * 0.02
    return {"idx": idx, "embed": embed}

def reference(idx, embed):
    # BigramModel.forward: logits = self.embed(idx)
    logits = jnp.take(embed, idx, axis=0)
    return logits

if __name__ == "__main__":
    import jax
    _d = setup_inputs()
    print(jax.jit(kernel)(*tuple(_d.values())))

</pallas_src>

<mosaic_0001>
#map = affine_map<(d0, d1) -> (0, 0, 0)>
#map1 = affine_map<(d0, d1) -> (0, 0)>
module attributes {stable_mosaic.version = 14 : i64} {
  func.func @body(%arg0: i32, %arg1: i32, %arg2: memref<32x32x50xi32, #tpu.memory_space<hbm>>, %arg3: memref<1000x1000xf32, #tpu.memory_space<hbm>>, %arg4: memref<1000x128xf32, #tpu.memory_space<hbm>>, %arg5: memref<1024x50x1000xf32, #tpu.memory_space<hbm>>, %arg6: memref<32x50xi32, #tpu.memory_space<vmem>>, %arg7: memref<50x1000xf32, #tpu.memory_space<vmem>>, %arg8: memref<50x1000xf32, #tpu.memory_space<vmem>>, %arg9: memref<50x128xf32, #tpu.memory_space<vmem>>, %arg10: memref<!tpu.dma_semaphore, #tpu.memory_space<semaphore_mem>>, %arg11: memref<!tpu.dma_semaphore, #tpu.memory_space<semaphore_mem>>, %arg12: memref<!tpu.dma_semaphore, #tpu.memory_space<semaphore_mem>>, %arg13: memref<!tpu.dma_semaphore, #tpu.memory_space<semaphore_mem>>, %arg14: memref<!tpu.dma_semaphore, #tpu.memory_space<semaphore_mem>>) attributes {dimension_semantics = [#tpu.dimension_semantics<core_parallel>, #tpu.dimension_semantics<subcore_parallel>], iteration_bounds = array<i64: 2, 16>, scalar_prefetch = 0 : i64, scratch_operands = 9 : i64, tpu.core_type = #tpu.core_type<sc_vector_subcore>, window_params = [{transform_indices = #map}, {transform_indices = #map1}, {transform_indices = #map1}, {transform_indices = #map}]} {
    %mul3A = arith.constant 2 : i32
    %mul3A_0 = arith.muli %arg1, %mul3A : i32
    %add3A = arith.addi %mul3A_0, %arg0 : i32
    %mul3A_1 = arith.constant 32 : i32
    %mul3A_2 = arith.muli %add3A, %mul3A_1 : i32
    "tpu.region"() ({
      %run_scoped3A = tpu.sem_alloc : memref<!tpu.dma_semaphore, #tpu.memory_space<semaphore_mem>>
      %dma_start3A_111 = arith.constant 0 : i32
      %dma_start3A_112 = arith.constant 0 : i32
      %dma_start3A_113 = tpu.memref_slice %arg2[%add3A, %dma_start3A_111, %dma_start3A_112] : memref<32x32x50xi32, #tpu.memory_space<hbm>> -> memref<1x32x50xi32, #tpu.memory_space<hbm>>
      %dma_start3A_114 = tpu.memref_squeeze %dma_start3A_113 : memref<1x32x50xi32, #tpu.memory_space<hbm>> -> memref<32x50xi32, #tpu.memory_space<hbm>>
      %dma_start3A_115 = arith.constant 0 : i32
      %dma_start3A_116 = arith.constant 0 : i32
      %dma_start3A_117 = tpu.memref_slice %arg2[%add3A, %dma_start3A_115, %dma_start3A_116] : memref<32x32x50xi32, #tpu.memory_space<hbm>> -> memref<1x32x50xi32, #tpu.memory_space<hbm>>
      %dma_start3A_118 = tpu.memref_squeeze %dma_start3A_117 : memref<1x32x50xi32, #tpu.memory_space<hbm>> -> memref<32x50xi32, #tpu.memory_space<hbm>>
      tpu.enqueue_dma source(%dma_start3A_118 : memref<32x50xi32, #tpu.memory_space<hbm>>) target(%arg6 : memref<32x50xi32, #tpu.memory_space<vmem>>) target_semaphore(%run_scoped3A : memref<!tpu.dma_semaphore, #tpu.memory_space<semaphore_mem>>)
      %dma_wait3A_119 = arith.constant 0 : i32
      %dma_wait3A_120 = arith.constant 0 : i32
      %dma_wait3A_121 = tpu.memref_slice %arg2[%add3A, %dma_wait3A_119, %dma_wait3A_120] : memref<32x32x50xi32, #tpu.memory_space<hbm>> -> memref<1x32x50xi32, #tpu.memory_space<hbm>>
      %dma_wait3A_122 = tpu.memref_squeeze %dma_wait3A_121 : memref<1x32x50xi32, #tpu.memory_space<hbm>> -> memref<32x50xi32, #tpu.memory_space<hbm>>
      %dma_wait3A_123 = arith.constant 0 : i32
      %dma_wait3A_124 = arith.constant 0 : i32
      %dma_wait3A_125 = tpu.memref_slice %arg2[%add3A, %dma_wait3A_123, %dma_wait3A_124] : memref<32x32x50xi32, #tpu.memory_space<hbm>> -> memref<1x32x50xi32, #tpu.memory_space<hbm>>
      %dma_wait3A_126 = tpu.memref_squeeze %dma_wait3A_125 : memref<1x32x50xi32, #tpu.memory_space<hbm>> -> memref<32x50xi32, #tpu.memory_space<hbm>>
      tpu.wait_dma2 semaphore(%run_scoped3A : memref<!tpu.dma_semaphore, #tpu.memory_space<semaphore_mem>>) src(%dma_wait3A_126 : memref<32x50xi32, #tpu.memory_space<hbm>>) dst(%arg6 : memref<32x50xi32, #tpu.memory_space<vmem>>)
      tpu.yield
    }) : () -> ()
    %iota3A = tpu.iota {dimensions = array<i32: 0>} : vector<16xi32>
    %lt3A = arith.constant 8 : i32
    %lt3A_3 = vector.broadcast %lt3A : i32 to vector<16xi32>
    %lt3A_4 = arith.cmpi slt, %iota3A, %lt3A_3 : vector<16xi32>
    %add3A_5 = arith.constant 120 : i32
    %add3A_6 = vector.broadcast %add3A_5 : i32 to vector<16xi32>
    %add3A_7 = arith.addi %add3A_6, %iota3A : vector<16xi32>
    %add3A_8 = arith.constant 112 : i32
    %add3A_9 = vector.broadcast %add3A_8 : i32 to vector<16xi32>
    %add3A_10 = arith.addi %add3A_9, %iota3A : vector<16xi32>
    %select_n3A = arith.select %lt3A_4, %add3A_7, %add3A_10 : vector<16xi1>, vector<16xi32>
    %lt3A_11 = arith.constant 8 : i32
    %lt3A_12 = vector.broadcast %lt3A_11 : i32 to vector<16xi32>
    %lt3A_13 = arith.cmpi slt, %iota3A, %lt3A_12 : vector<16xi32>
    %add3A_14 = arith.constant 992 : i32
    %add3A_15 = vector.broadcast %add3A_14 : i32 to vector<16xi32>
    %add3A_16 = arith.addi %add3A_15, %iota3A : vector<16xi32>
    %add3A_17 = arith.constant 984 : i32
    %add3A_18 = vector.broadcast %add3A_17 : i32 to vector<16xi32>
    %add3A_19 = arith.addi %add3A_18, %iota3A : vector<16xi32>
    %select_n3A_20 = arith.select %lt3A_13, %add3A_16, %add3A_19 : vector<16xi1>, vector<16xi32>
    %dma_start3A = arith.constant 0 : i32
    %dma_start3A_21 = arith.constant 0 : i32
    %dma_start3A_22 = arith.constant 0 : i32
    %dma_start3A_23 = tpu.memref_slice %arg7[%dma_start3A_21, %dma_start3A_22] : memref<50x1000xf32, #tpu.memory_space<vmem>> -> memref<50x128xf32, #tpu.memory_space<vmem>>
    %dma_start3A_24 = arith.constant 0 : i32
    %dma_start3A_25 = tpu.memref_slice %arg6[%dma_start3A, %dma_start3A_24] : memref<32x50xi32, #tpu.memory_space<vmem>> -> memref<1x50xi32, #tpu.memory_space<vmem>>
    %dma_start3A_26 = tpu.memref_squeeze %dma_start3A_25 : memref<1x50xi32, #tpu.memory_space<vmem>> -> memref<50xi32, #tpu.memory_space<vmem>>
    %dma_start3A_27 = arith.constant 0 : i32
    %dma_start3A_28 = arith.constant 0 : i32
    %dma_start3A_29 = tpu.memref_slice %arg3[%dma_start3A_27, %dma_start3A_28] : memref<1000x1000xf32, #tpu.memory_space<hbm>> -> memref<1000x128xf32, #tpu.memory_space<hbm>>
    tpu.enqueue_indirect_dma source(%dma_start3A_29 : memref<1000x128xf32, #tpu.memory_space<hbm>>) target(%dma_start3A_23 : memref<50x128xf32, #tpu.memory_space<vmem>>) offsets(%dma_start3A_26 : memref<50xi32, #tpu.memory_space<vmem>>) semaphore(%arg10 : memref<!tpu.dma_semaphore, #tpu.memory_space<semaphore_mem>>)
    %dma_start3A_30 = arith.constant 0 : i32
    %dma_start3A_31 = arith.constant 0 : i32
    %dma_start3A_32 = arith.constant 128 : i32
    %dma_start3A_33 = tpu.memref_slice %arg7[%dma_start3A_31, %dma_start3A_32] : memref<50x1000xf32, #tpu.memory_space<vmem>> -> memref<50x128xf32, #tpu.memory_space<vmem>>
    %dma_start3A_34 = arith.constant 0 : i32
    %dma_start3A_35 = tpu.memref_slice %arg6[%dma_start3A_30, %dma_start3A_34] : memref<32x50xi32, #tpu.memory_space<vmem>> -> memref<1x50xi32, #tpu.memory_space<vmem>>
    %dma_start3A_36 = tpu.memref_squeeze %dma_start3A_35 : memref<1x50xi32, #tpu.memory_space<vmem>> -> memref<50xi32, #tpu.memory_space<vmem>>
    %dma_start3A_37 = arith.constant 0 : i32
    %dma_start3A_38 = arith.constant 128 : i32
    %dma_start3A_39 = tpu.memref_slice %arg3[%dma_start3A_37, %dma_start3A_38] : memref<1000x1000xf32, #tpu.memory_space<hbm>> -> memref<1000x128xf32, #tpu.memory_space<hbm>>
    tpu.enqueue_indirect_dma source(%dma_start3A_39 : memref<1000x128xf32, #tpu.memory_space<hbm>>) target(%dma_start3A_33 : memref<50x128xf32, #tpu.memory_space<vmem>>) offsets(%dma_start3A_36 : memref<50xi32, #tpu.memory_space<vmem>>) semaphore(%arg10 : memref<!tpu.dma_semaphore, #tpu.memory_space<semaphore_mem>>)
    %dma_start3A_40 = arith.constant 0 : i32
    %dma_start3A_41 = arith.constant 0 : i32
    %dma_start3A_42 = arith.constant 256 : i32
    %dma_start3A_43 = tpu.memref_slice %arg7[%dma_start3A_41, %dma_start3A_42] : memref<50x1000xf32, #tpu.memory_space<vmem>> -> memref<50x128xf32, #tpu.memory_space<vmem>>
    %dma_start3A_44 = arith.constant 0 : i32
    %dma_start3A_45 = tpu.memref_slice %arg6[%dma_start3A_40, %dma_start3A_44] : memref<32x50xi32, #tpu.memory_space<vmem>> -> memref<1x50xi32, #tpu.memory_space<vmem>>
    %dma_start3A_46 = tpu.memref_squeeze %dma_start3A_45 : memref<1x50xi32, #tpu.memory_space<vmem>> -> memref<50xi32, #tpu.memory_space<vmem>>
    %dma_start3A_47 = arith.constant 0 : i32
    %dma_start3A_48 = arith.constant 256 : i32
    %dma_start3A_49 = tpu.memref_slice %arg3[%dma_start3A_47, %dma_start3A_48] : memref<1000x1000xf32, #tpu.memory_space<hbm>> -> memref<1000x128xf32, #tpu.memory_space<hbm>>
    tpu.enqueue_indirect_dma source(%dma_start3A_49 : memref<1000x128xf32, #tpu.memory_space<hbm>>) target(%dma_start3A_43 : memref<50x128xf32, #tpu.memory_space<vmem>>) offsets(%dma_start3A_46 : memref<50xi32, #tpu.memory_space<vmem>>) semaphore(%arg10 : memref<!tpu.dma_semaphore, #tpu.memory_space<semaphore_mem>>)
    %dma_start3A_50 = arith.constant 0 : i32
    %dma_start3A_51 = arith.constant 0 : i32
    %dma_start3A_52 = arith.constant 384 : i32
    %dma_start3A_53 = tpu.memref_slice %arg7[%dma_start3A_51, %dma_start3A_52] : memref<50x1000xf32, #tpu.memory_space<vmem>> -> memref<50x128xf32, #tpu.memory_space<vmem>>
    %dma_start3A_54 = arith.constant 0 : i32
    %dma_start3A_55 = tpu.memref_slice %arg6[%dma_start3A_50, %dma_start3A_54] : memref<32x50xi32, #tpu.memory_space<vmem>> -> memref<1x50xi32, #tpu.memory_space<vmem>>
    %dma_start3A_56 = tpu.memref_squeeze %dma_start3A_55 : memref<1x50xi32, #tpu.memory_space<vmem>> -> memref<50xi32, #tpu.memory_space<vmem>>
    %dma_start3A_57 = arith.constant 0 : i32
    %dma_start3A_58 = arith.constant 384 : i32
    %dma_start3A_59 = tpu.memref_slice %arg3[%dma_start3A_57, %dma_start3A_58] : memref<1000x1000xf32, #tpu.memory_space<hbm>> -> memref<1000x128xf32, #tpu.memory_space<hbm>>
    tpu.enqueue_indirect_dma source(%dma_start3A_59 : memref<1000x128xf32, #tpu.memory_space<hbm>>) target(%dma_start3A_53 : memref<50x128xf32, #tpu.memory_space<vmem>>) offsets(%dma_start3A_56 : memref<50xi32, #tpu.memory_space<vmem>>) semaphore(%arg10 : memref<!tpu.dma_semaphore, #tpu.memory_space<semaphore_mem>>)
    %dma_start3A_60 = arith.constant 0 : i32
    %dma_start3A_61 = arith.constant 0 : i32
    %dma_start3A_62 = arith.constant 512 : i32
    %dma_start3A_63 = tpu.memref_slice %arg7[%dma_start3A_61, %dma_start3A_62] : memref<50x1000xf32, #tpu.memory_space<vmem>> -> memref<50x128xf32, #tpu.memory_space<vmem>>
    %dma_start3A_64 = arith.constant 0 : i32
    %dma_start3A_65 = tpu.memref_slice %arg6[%dma_start3A_60, %dma_start3A_64] : memref<32x50xi32, #tpu.memory_space<vmem>> -> memref<1x50xi32, #tpu.memory_space<vmem>>
    %dma_start3A_66 = tpu.memref_squeeze %dma_start3A_65 : memref<1x50xi32, #tpu.memory_space<vmem>> -> memref<50xi32, #tpu.memory_space<vmem>>
    %dma_start3A_67 = arith.constant 0 : i32
    %dma_start3A_68 = arith.constant 512 : i32
    %dma_start3A_69 = tpu.memref_slice %arg3[%dma_start3A_67, %dma_start3A_68] : memref<1000x1000xf32, #tpu.memory_space<hbm>> -> memref<1000x128xf32, #tpu.memory_space<hbm>>
    tpu.enqueue_indirect_dma source(%dma_start3A_69 : memref<1000x128xf32, #tpu.memory_space<hbm>>) target(%dma_start3A_63 : memref<50x128xf32, #tpu.memory_space<vmem>>) offsets(%dma_start3A_66 : memref<50xi32, #tpu.memory_space<vmem>>) semaphore(%arg10 : memref<!tpu.dma_semaphore, #tpu.memory_space<semaphore_mem>>)
    %dma_start3A_70 = arith.constant 0 : i32
    %dma_start3A_71 = arith.constant 0 : i32
    %dma_start3A_72 = arith.constant 640 : i32
    %dma_start3A_73 = tpu.memref_slice %arg7[%dma_start3A_71, %dma_start3A_72] : memref<50x1000xf32, #tpu.memory_space<vmem>> -> memref<50x128xf32, #tpu.memory_space<vmem>>
    %dma_start3A_74 = arith.constant 0 : i32
    %dma_start3A_75 = tpu.memref_slice %arg6[%dma_start3A_70, %dma_start3A_74] : memref<32x50xi32, #tpu.memory_space<vmem>> -> memref<1x50xi32, #tpu.memory_space<vmem>>
    %dma_start3A_76 = tpu.memref_squeeze %dma_start3A_75 : memref<1x50xi32, #tpu.memory_space<vmem>> -> memref<50xi32, #tpu.memory_space<vmem>>
    %dma_start3A_77 = arith.constant 0 : i32
    %dma_start3A_78 = arith.constant 640 : i32
    %dma_start3A_79 = tpu.memref_slice %arg3[%dma_start3A_77, %dma_start3A_78] : memref<1000x1000xf32, #tpu.memory_space<hbm>> -> memref<1000x128xf32, #tpu.memory_space<hbm>>
    tpu.enqueue_indirect_dma source(%dma_start3A_79 : memref<1000x128xf32, #tpu.memory_space<hbm>>) target(%dma_start3A_73 : memref<50x128xf32, #tpu.memory_space<vmem>>) offsets(%dma_start3A_76 : memref<50xi32, #tpu.memory_space<vmem>>) semaphore(%arg10 : memref<!tpu.dma_semaphore, #tpu.memory_space<semaphore_mem>>)
    %dma_start3A_80 = arith.constant 0 : i32
    %dma_start3A_81 = arith.constant 0 : i32
    %dma_start3A_82 = arith.constant 768 : i32
    %dma_start3A_83 = tpu.memref_slice %arg7[%dma_start3A_81, %dma_start3A_82] : memref<50x1000xf32, #tpu.memory_space<vmem>> -> memref<50x128xf32, #tpu.memory_space<vmem>>
    %dma_start3A_84 = arith.constant 0 : i32
    %dma_start3A_85 = tpu.memref_slice %arg6[%dma_start3A_80, %dma_start3A_84] : memref<32x50xi32, #tpu.memory_space<vmem>> -> memref<1x50xi32, #tpu.memory_space<vmem>>
    %dma_start3A_86 = tpu.memref_squeeze %dma_start3A_85 : memref<1x50xi32, #tpu.memory_space<vmem>> -> memref<50xi32, #tpu.memory_space<vmem>>
    %dma_start3A_87 = arith.constant 0 : i32
    %dma_start3A_88 = arith.constant 768 : i32
    %dma_start3A_89 = tpu.memref_slice %arg3[%dma_start3A_87, %dma_start3A_88] : memref<1000x1000xf32, #tpu.memory_space<hbm>> -> memref<1000x128xf32, #tpu.memory_space<hbm>>
    tpu.enqueue_indirect_dma source(%dma_start3A_89 : memref<1000x128xf32, #tpu.memory_space<hbm>>) target(%dma_start3A_83 : memref<50x128xf32, #tpu.memory_space<vmem>>) offsets(%dma_start3A_86 : memref<50xi32, #tpu.memory_space<vmem>>) semaphore(%arg10 : memref<!tpu.dma_semaphore, #tpu.memory_space<semaphore_mem>>)
    %dma_start3A_90 = arith.constant 0 : i32
    %dma_start3A_91 = arith.constant 0 : i32
    %dma_start3A_92 = tpu.memref_slice %arg6[%dma_start3A_90, %dma_start3A_91] : memref<32x50xi32, #tpu.memory_space<vmem>> -> memref<1x50xi32, #tpu.memory_space<vmem>>
    %dma_start3A_93 = tpu.memref_squeeze %dma_start3A_92 : memref<1x50xi32, #tpu.memory_space<vmem>> -> memref<50xi32, #tpu.memory_space<vmem>>
    %dma_start3A_94 = arith.constant 0 : i32
    %dma_start3A_95 = arith.constant 0 : i32
    %dma_start3A_96 = tpu.memref_slice %arg4[%dma_start3A_94, %dma_start3A_95] : memref<1000x128xf32, #tpu.memory_space<hbm>> -> memref<1000x128xf32, #tpu.memory_space<hbm>>
    tpu.enqueue_indirect_dma source(%dma_start3A_96 : memref<1000x128xf32, #tpu.memory_space<hbm>>) target(%arg9 : memref<50x128xf32, #tpu.memory_space<vmem>>) offsets(%dma_start3A_93 : memref<50xi32, #tpu.memory_space<vmem>>) semaphore(%arg12 : memref<!tpu.dma_semaphore, #tpu.memory_space<semaphore_mem>>)
    %scan3A = arith.constant 0 : i32
    %scan3A_97 = arith.constant 0 : i32
    %scan3A_98 = arith.constant 16 : i32
    %scan3A_99 = arith.addi %scan3A_97, %scan3A_98 : i32
    %scan3A_100 = arith.constant 1 : i32
    scf.for %scan3A_111 = %scan3A_97 to %scan3A_99 step %scan3A_100  : i32 {
      %mul3A_112 = arith.constant 2 : i32
      %mul3A_113 = arith.muli %mul3A_112, %scan3A_111 : i32
      %add3A_114 = arith.constant 0 : i32
      %add3A_115 = arith.addi %mul3A_113, %add3A_114 : i32
      %dma_wait3A_116 = arith.constant 0 : i32
      %dma_wait3A_117 = tpu.memref_slice %arg6[%add3A_115, %dma_wait3A_116] : memref<32x50xi32, #tpu.memory_space<vmem>> -> memref<1x50xi32, #tpu.memory_space<vmem>>
      %dma_wait3A_118 = tpu.memref_squeeze %dma_wait3A_117 : memref<1x50xi32, #tpu.memory_space<vmem>> -> memref<50xi32, #tpu.memory_space<vmem>>
      %dma_wait3A_119 = arith.constant 0 : i32
      %dma_wait3A_120 = arith.constant 0 : i32
      %dma_wait3A_121 = tpu.memref_slice %arg4[%dma_wait3A_119, %dma_wait3A_120] : memref<1000x128xf32, #tpu.memory_space<hbm>> -> memref<1000x128xf32, #tpu.memory_space<hbm>>
      tpu.wait_indirect_dma semaphore(%arg12 : memref<!tpu.dma_semaphore, #tpu.memory_space<semaphore_mem>>) src(%dma_wait3A_121 : memref<1000x128xf32, #tpu.memory_space<hbm>>) dst(%arg9 : memref<50x128xf32, #tpu.memory_space<vmem>>)
      %scan3A_122 = arith.constant 0 : i32
      %scan3A_123 = arith.constant 0 : i32
      %scan3A_124 = arith.constant 50 : i32
      %scan3A_125 = arith.addi %scan3A_123, %scan3A_124 : i32
      %scan3A_126 = arith.constant 1 : i32
      scf.for %scan3A_309 = %scan3A_123 to %scan3A_125 step %scan3A_126  : i32 {
        %get3A = arith.index_cast %scan3A_309 : i32 to index
        %get3A_310 = arith.constant 24 : index
        %get3A_311 = tpu.vector_load %arg9[%get3A, %get3A_310] {strides = array<i32>} : memref<50x128xf32, #tpu.memory_space<vmem>>, vector<16xf32>,
        %swap3A = arith.index_cast %scan3A_309 : i32 to index
        %swap3A_312 = arith.constant 896 : index
        %swap3A_313 = tpu.vector_load %arg7[%swap3A, %swap3A_312] {strides = array<i32>} : memref<50x1000xf32, #tpu.memory_space<vmem>>, vector<16xf32>,
        tpu.vector_store %arg7[%swap3A, %swap3A_312], %get3A_311 {strides = array<i32>} : memref<50x1000xf32, #tpu.memory_space<vmem>>, vector<16xf32>,
        %get3A_314 = arith.index_cast %scan3A_309 : i32 to index
        %get3A_315 = arith.constant 40 : index
        %get3A_316 = tpu.vector_load %arg9[%get3A_314, %get3A_315] {strides = array<i32>} : memref<50x128xf32, #tpu.memory_space<vmem>>, vector<16xf32>,
        %swap3A_317 = arith.index_cast %scan3A_309 : i32 to index
        %swap3A_318 = arith.constant 912 : index
        %swap3A_319 = tpu.vector_load %arg7[%swap3A_317, %swap3A_318] {strides = array<i32>} : memref<50x1000xf32, #tpu.memory_space<vmem>>, vector<16xf32>,
        tpu.vector_store %arg7[%swap3A_317, %swap3A_318], %get3A_316 {strides = array<i32>} : memref<50x1000xf32, #tpu.memory_space<vmem>>, vector<16xf32>,
        %get3A_320 = arith.index_cast %scan3A_309 : i32 to index
        %get3A_321 = arith.constant 56 : index
        %get3A_322 = tpu.vector_load %arg9[%get3A_320, %get3A_321] {strides = array<i32>} : memref<50x128xf32, #tpu.memory_space<vmem>>, vector<16xf32>,
        %swap3A_323 = arith.index_cast %scan3A_309 : i32 to index
        %swap3A_324 = arith.constant 928 : index
        %swap3A_325 = tpu.vector_load %arg7[%swap3A_323, %swap3A_324] {strides = array<i32>} : memref<50x1000xf32, #tpu.memory_space<vmem>>, vector<16xf32>,
        tpu.vector_store %arg7[%swap3A_323, %swap3A_324], %get3A_322 {strides = array<i32>} : memref<50x1000xf32, #tpu.memory_space<vmem>>, vector<16xf32>,
        %get3A_326 = arith.index_cast %scan3A_309 : i32 to index
        %get3A_327 = arith.constant 72 : index
        %get3A_328 = tpu.vector_load %arg9[%get3A_326, %get3A_327] {strides = array<i32>} : memref<50x128xf32, #tpu.memory_space<vmem>>, vector<16xf32>,
        %swap3A_329 = arith.index_cast %scan3A_309 : i32 to index
        %swap3A_330 = arith.constant 944 : index
        %swap3A_331 = tpu.vector_load %arg7[%swap3A_329, %swap3A_330] {strides = array<i32>} : memref<50x1000xf32, #tpu.memory_space<vmem>>, vector<16xf32>,
        tpu.vector_store %arg7[%swap3A_329, %swap3A_330], %get3A_328 {strides = array<i32>} : memref<50x1000xf32, #tpu.memory_space<vmem>>, vector<16xf32>,
        %get3A_332 = arith.index_cast %scan3A_309 : i32 to index
        %get3A_333 = arith.constant 88 : index
        %get3A_334 = tpu.vector_load %arg9[%get3A_332, %get3A_333] {strides = array<i32>} : memref<50x128xf32, #tpu.memory_space<vmem>>, vector<16xf32>,
        %swap3A_335 = arith.index_cast %scan3A_309 : i32 to index
        %swap3A_336 = arith.constant 960 : index
        %swap3A_337 = tpu.vector_load %arg7[%swap3A_335, %swap3A_336] {strides = array<i32>} : memref<50x1000xf32, #tpu.memory_space<vmem>>, vector<16xf32>,
        tpu.vector_store %arg7[%swap3A_335, %swap3A_336], %get3A_334 {strides = array<i32>} : memref<50x1000xf32, #tpu.memory_space<vmem>>, vector<16xf32>,
        %get3A_338 = arith.index_cast %scan3A_309 : i32 to index
        %get3A_339 = arith.constant 104 : index
        %get3A_340 = tpu.vector_load %arg9[%get3A_338, %get3A_339] {strides = array<i32>} : memref<50x128xf32, #tpu.memory_space<vmem>>, vector<16xf32>,
        %swap3A_341 = arith.index_cast %scan3A_309 : i32 to index
        %swap3A_342 = arith.constant 976 : index
        %swap3A_343 = tpu.vector_load %arg7[%swap3A_341, %swap3A_342] {strides = array<i32>} : memref<50x1000xf32, #tpu.memory_space<vmem>>, vector<16xf32>,
        tpu.vector_store %arg7[%swap3A_341, %swap3A_342], %get3A_340 {strides = array<i32>} : memref<50x1000xf32, #tpu.memory_space<vmem>>, vector<16xf32>,
        %broadcast_in_dim3A = vector.broadcast %scan3A_309 : i32 to vector<16xi32>
        %gather3A = tpu.vector_load_idx %arg9[%broadcast_in_dim3A, %select_n3A] : memref<50x128xf32, #tpu.memory_space<vmem>>[vector<16xi32>, vector<16xi32>], vector<16xf32>,
        tpu.vector_store_idx %arg7[%broadcast_in_dim3A, %select_n3A_20], %gather3A : memref<50x1000xf32, #tpu.memory_space<vmem>>[vector<16xi32>, vector<16xi32>], vector<16xf32>,
      }
      %scan3A_127 = arith.constant 50 : i32
      %dma_wait3A_128 = arith.constant 0 : i32
      %dma_wait3A_129 = arith.constant 0 : i32
      %dma_wait3A_130 = tpu.memref_slice %arg7[%dma_wait3A_128, %dma_wait3A_129] : memref<50x1000xf32, #tpu.memory_space<vmem>> -> memref<50x128xf32, #tpu.memory_space<vmem>>
      %dma_wait3A_131 = arith.constant 0 : i32
      %dma_wait3A_132 = tpu.memref_slice %arg6[%add3A_115, %dma_wait3A_131] : memref<32x50xi32, #tpu.memory_space<vmem>> -> memref<1x50xi32, #tpu.memory_space<vmem>>
      %dma_wait3A_133 = tpu.memref_squeeze %dma_wait3A_132 : memref<1x50xi32, #tpu.memory_space<vmem>> -> memref<50xi32, #tpu.memory_space<vmem>>
      %dma_wait3A_134 = arith.constant 0 : i32
      %dma_wait3A_135 = arith.constant 0 : i32
      %dma_wait3A_136 = tpu.memref_slice %arg3[%dma_wait3A_134, %dma_wait3A_135] : memref<1000x1000xf32, #tpu.memory_space<hbm>> -> memref<1000x128xf32, #tpu.memory_space<hbm>>
      tpu.wait_indirect_dma semaphore(%arg10 : memref<!tpu.dma_semaphore, #tpu.memory_space<semaphore_mem>>) src(%dma_wait3A_136 : memref<1000x128xf32, #tpu.memory_space<hbm>>) dst(%dma_wait3A_130 : memref<50x128xf32, #tpu.memory_space<vmem>>)
      %dma_wait3A_137 = arith.constant 0 : i32
      %dma_wait3A_138 = arith.constant 128 : i32
      %dma_wait3A_139 = tpu.memref_slice %arg7[%dma_wait3A_137, %dma_wait3A_138] : memref<50x1000xf32, #tpu.memory_space<vmem>> -> memref<50x128xf32, #tpu.memory_space<vmem>>
      %dma_wait3A_140 = arith.constant 0 : i32
      %dma_wait3A_141 = tpu.memref_slice %arg6[%add3A_115, %dma_wait3A_140] : memref<32x50xi32, #tpu.memory_space<vmem>> -> memref<1x50xi32, #tpu.memory_space<vmem>>
      %dma_wait3A_142 = tpu.memref_squeeze %dma_wait3A_141 : memref<1x50xi32, #tpu.memory_space<vmem>> -> memref<50xi32, #tpu.memory_space<vmem>>
      %dma_wait3A_143 = arith.constant 0 : i32
      %dma_wait3A_144 = arith.constant 128 : i32
      %dma_wait3A_145 = tpu.memref_slice %arg3[%dma_wait3A_143, %dma_wait3A_144] : memref<1000x1000xf32, #tpu.memory_space<hbm>> -> memref<1000x128xf32, #tpu.memory_space<hbm>>
      tpu.wait_indirect_dma semaphore(%arg10 : memref<!tpu.dma_semaphore, #tpu.memory_space<semaphore_mem>>) src(%dma_wait3A_145 : memref<1000x128xf32, #tpu.memory_space<hbm>>) dst(%dma_wait3A_139 : memref<50x128xf32, #tpu.memory_space<vmem>>)
      %dma_wait3A_146 = arith.constant 0 : i32
      %dma_wait3A_147 = arith.constant 256 : i32
      %dma_wait3A_148 = tpu.memref_slice %arg7[%dma_wait3A_146, %dma_wait3A_147] : memref<50x1000xf32, #tpu.memory_space<vmem>> -> memref<50x128xf32, #tpu.memory_space<vmem>>
      %dma_wait3A_149 = arith.constant 0 : i32
      %dma_wait3A_150 = tpu.memref_slice %arg6[%add3A_115, %dma_wait3A_149] : memref<32x50xi32, #tpu.memory_space<vmem>> -> memref<1x50xi32, #tpu.memory_space<vmem>>
      %dma_wait3A_151 = tpu.memref_squeeze %dma_wait3A_150 : memref<1x50xi32, #tpu.memory_space<vmem>> -> memref<50xi32, #tpu.memory_space<vmem>>
      %dma_wait3A_152 = arith.constant 0 : i32
      %dma_wait3A_153 = arith.constant 256 : i32
      %dma_wait3A_154 = tpu.memref_slice %arg3[%dma_wait3A_152, %dma_wait3A_153] : memref<1000x1000xf32, #tpu.memory_space<hbm>> -> memref<1000x128xf32, #tpu.memory_space<hbm>>
      tpu.wait_indirect_dma semaphore(%arg10 : memref<!tpu.dma_semaphore, #tpu.memory_space<semaphore_mem>>) src(%dma_wait3A_154 : memref<1000x128xf32, #tpu.memory_space<hbm>>) dst(%dma_wait3A_148 : memref<50x128xf32, #tpu.memory_space<vmem>>)
      %dma_wait3A_155 = arith.constant 0 : i32
      %dma_wait3A_156 = arith.constant 384 : i32
      %dma_wait3A_157 = tpu.memref_slice %arg7[%dma_wait3A_155, %dma_wait3A_156] : memref<50x1000xf32, #tpu.memory_space<vmem>> -> memref<50x128xf32, #tpu.memory_space<vmem>>
      %dma_wait3A_158 = arith.constant 0 : i32
      %dma_wait3A_159 = tpu.memref_slice %arg6[%add3A_115, %dma_wait3A_158] : memref<32x50xi32, #tpu.memory_space<vmem>> -> memref<1x50xi32, #tpu.memory_space<vmem>>
      %dma_wait3A_160 = tpu.memref_squeeze %dma_wait3A_159 : memref<1x50xi32, #tpu.memory_space<vmem>> -> memref<50xi32, #tpu.memory_space<vmem>>
      %dma_wait3A_161 = arith.constant 0 : i32
      %dma_wait3A_162 = arith.constant 384 : i32
      %dma_wait3A_163 = tpu.memref_slice %arg3[%dma_wait3A_161, %dma_wait3A_162] : memref<1000x1000xf32, #tpu.memory_space<hbm>> -> memref<1000x128xf32, #tpu.memory_space<hbm>>
      tpu.wait_indirect_dma semaphore(%arg10 : memref<!tpu.dma_semaphore, #tpu.memory_space<semaphore_mem>>) src(%dma_wait3A_163 : memref<1000x128xf32, #tpu.memory_space<hbm>>) dst(%dma_wait3A_157 : memref<50x128xf32, #tpu.memory_space<vmem>>)
      %dma_wait3A_164 = arith.constant 0 : i32
      %dma_wait3A_165 = arith.constant 512 : i32
      %dma_wait3A_166 = tpu.memref_slice %arg7[%dma_wait3A_164, %dma_wait3A_165] : memref<50x1000xf32, #tpu.memory_space<vmem>> -> memref<50x128xf32, #tpu.memory_space<vmem>>
      %dma_wait3A_167 = arith.constant 0 : i32
      %dma_wait3A_168 = tpu.memref_slice %arg6[%add3A_115, %dma_wait3A_167] : memref<32x50xi32, #tpu.memory_space<vmem>> -> memref<1x50xi32, #tpu.memory_space<vmem>>
      %dma_wait3A_169 = tpu.memref_squeeze %dma_wait3A_168 : memref<1x50xi32, #tpu.memory_space<vmem>> -> memref<50xi32, #tpu.memory_space<vmem>>
      %dma_wait3A_170 = arith.constant 0 : i32
      %dma_wait3A_171 = arith.constant 512 : i32
      %dma_wait3A_172 = tpu.memref_slice %arg3[%dma_wait3A_170, %dma_wait3A_171] : memref<1000x1000xf32, #tpu.memory_space<hbm>> -> memref<1000x128xf32, #tpu.memory_space<hbm>>
      tpu.wait_indirect_dma semaphore(%arg10 : memref<!tpu.dma_semaphore, #tpu.memory_space<semaphore_mem>>) src(%dma_wait3A_172 : memref<1000x128xf32, #tpu.memory_space<hbm>>) dst(%dma_wait3A_166 : memref<50x128xf32, #tpu.memory_space<vmem>>)
      %dma_wait3A_173 = arith.constant 0 : i32
      %dma_wait3A_174 = arith.constant 640 : i32
      %dma_wait3A_175 = tpu.memref_slice %arg7[%dma_wait3A_173, %dma_wait3A_174] : memref<50x1000xf32, #tpu.memory_space<vmem>> -> memref<50x128xf32, #tpu.memory_space<vmem>>
      %dma_wait3A_176 = arith.constant 0 : i32
      %dma_wait3A_177 = tpu.memref_slice %arg6[%add3A_115, %dma_wait3A_176] : memref<32x50xi32, #tpu.memory_space<vmem>> -> memref<1x50xi32, #tpu.memory_space<vmem>>
      %dma_wait3A_178 = tpu.memref_squeeze %dma_wait3A_177 : memref<1x50xi32, #tpu.memory_space<vmem>> -> memref<50xi32, #tpu.memory_space<vmem>>
      %dma_wait3A_179 = arith.constant 0 : i32
      %dma_wait3A_180 = arith.constant 640 : i32
      %dma_wait3A_181 = tpu.memref_slice %arg3[%dma_wait3A_179, %dma_wait3A_180] : memref<1000x1000xf32, #tpu.memory_space<hbm>> -> memref<1000x128xf32, #tpu.memory_space<hbm>>
      tpu.wait_indirect_dma semaphore(%arg10 : memref<!tpu.dma_semaphore, #tpu.memory_space<semaphore_mem>>) src(%dma_wait3A_181 : memref<1000x128xf32, #tpu.memory_space<hbm>>) dst(%dma_wait3A_175 : memref<50x128xf32, #tpu.memory_space<vmem>>)
      %dma_wait3A_182 = arith.constant 0 : i32
      %dma_wait3A_183 = arith.constant 768 : i32
      %dma_wait3A_184 = tpu.memref_slice %arg7[%dma_wait3A_182, %dma_wait3A_183] : memref<50x1000xf32, #tpu.memory_space<vmem>> -> memref<50x128xf32, #tpu.memory_space<vmem>>
      %dma_wait3A_185 = arith.constant 0 : i32
      %dma_wait3A_186 = tpu.memref_slice %arg6[%add3A_115, %dma_wait3A_185] : memref<32x50xi32, #tpu.memory_space<vmem>> -> memref<1x50xi32, #tpu.memory_space<vmem>>
      %dma_wait3A_187 = tpu.memref_squeeze %dma_wait3A_186 : memref<1x50xi32, #tpu.memory_space<vmem>> -> memref<50xi32, #tpu.memory_space<vmem>>
      %dma_wait3A_188 = arith.constant 0 : i32
      %dma_wait3A_189 = arith.constant 768 : i32
      %dma_wait3A_190 = tpu.memref_slice %arg3[%dma_wait3A_188, %dma_wait3A_189] : memref<1000x1000xf32, #tpu.memory_space<hbm>> -> memref<1000x128xf32, #tpu.memory_space<hbm>>
      tpu.wait_indirect_dma semaphore(%arg10 : memref<!tpu.dma_semaphore, #tpu.memory_space<semaphore_mem>>) src(%dma_wait3A_190 : memref<1000x128xf32, #tpu.memory_space<hbm>>) dst(%dma_wait3A_184 : memref<50x128xf32, #tpu.memory_space<vmem>>)
      %ge3A = arith.constant 1 : i32
      %ge3A_191 = arith.cmpi sge, %add3A_115, %ge3A : i32
      %convert_element_type3A = arith.extui %ge3A_191 : i1 to i32
      %cond3A = arith.constant 0 : i32
      %cond3A_192 = arith.cmpi ne, %convert_element_type3A, %cond3A : i32
      scf.if %cond3A_192 {
        %add3A_309 = arith.addi %mul3A_2, %add3A_115 : i32
        %sub3A = arith.constant 1 : i32
        %sub3A_310 = arith.subi %add3A_309, %sub3A : i32
        %dma_wait3A_311 = arith.constant 0 : i32
        %dma_wait3A_312 = arith.constant 0 : i32
        %dma_wait3A_313 = tpu.memref_slice %arg5[%sub3A_310, %dma_wait3A_311, %dma_wait3A_312] : memref<1024x50x1000xf32, #tpu.memory_space<hbm>> -> memref<1x50x1000xf32, #tpu.memory_space<hbm>>
        %dma_wait3A_314 = tpu.memref_squeeze %dma_wait3A_313 : memref<1x50x1000xf32, #tpu.memory_space<hbm>> -> memref<50x1000xf32, #tpu.memory_space<hbm>>
        %dma_wait3A_315 = arith.constant 0 : i32
        %dma_wait3A_316 = arith.constant 0 : i32
        %dma_wait3A_317 = tpu.memref_slice %arg5[%sub3A_310, %dma_wait3A_315, %dma_wait3A_316] : memref<1024x50x1000xf32, #tpu.memory_space<hbm>> -> memref<1x50x1000xf32, #tpu.memory_space<hbm>>
        %dma_wait3A_318 = tpu.memref_squeeze %dma_wait3A_317 : memref<1x50x1000xf32, #tpu.memory_space<hbm>> -> memref<50x1000xf32, #tpu.memory_space<hbm>>
        tpu.wait_dma2 semaphore(%arg14 : memref<!tpu.dma_semaphore, #tpu.memory_space<semaphore_mem>>) src(%arg8 : memref<50x1000xf32, #tpu.memory_space<vmem>>) dst(%dma_wait3A_318 : memref<50x1000xf32, #tpu.memory_space<hbm>>)
      } else {
      }
      %add3A_193 = arith.constant 1 : i32
      %add3A_194 = arith.addi %add3A_115, %add3A_193 : i32
      %lt3A_195 = arith.constant 32 : i32
      %lt3A_196 = arith.cmpi slt, %add3A_194, %lt3A_195 : i32
      %convert_element_type3A_197 = arith.extui %lt3A_196 : i1 to i32
      %cond3A_198 = arith.constant 0 : i32
      %cond3A_199 = arith.cmpi ne, %convert_element_type3A_197, %cond3A_198 : i32
      scf.if %cond3A_199 {
        %add3A_309 = arith.constant 1 : i32
        %add3A_310 = arith.addi %add3A_115, %add3A_309 : i32
        %dma_start3A_311 = arith.constant 0 : i32
        %dma_start3A_312 = arith.constant 0 : i32
        %dma_start3A_313 = tpu.memref_slice %arg8[%dma_start3A_311, %dma_start3A_312] : memref<50x1000xf32, #tpu.memory_space<vmem>> -> memref<50x128xf32, #tpu.memory_space<vmem>>
        %dma_start3A_314 = arith.constant 0 : i32
        %dma_start3A_315 = tpu.memref_slice %arg6[%add3A_310, %dma_start3A_314] : memref<32x50xi32, #tpu.memory_space<vmem>> -> memref<1x50xi32, #tpu.memory_space<vmem>>
        %dma_start3A_316 = tpu.memref_squeeze %dma_start3A_315 : memref<1x50xi32, #tpu.memory_space<vmem>> -> memref<50xi32, #tpu.memory_space<vmem>>
        %dma_start3A_317 = arith.constant 0 : i32
        %dma_start3A_318 = arith.constant 0 : i32
        %dma_start3A_319 = tpu.memref_slice %arg3[%dma_start3A_317, %dma_start3A_318] : memref<1000x1000xf32, #tpu.memory_space<hbm>> -> memref<1000x128xf32, #tpu.memory_space<hbm>>
        tpu.enqueue_indirect_dma source(%dma_start3A_319 : memref<1000x128xf32, #tpu.memory_space<hbm>>) target(%dma_start3A_313 : memref<50x128xf32, #tpu.memory_space<vmem>>) offsets(%dma_start3A_316 : memref<50xi32, #tpu.memory_space<vmem>>) semaphore(%arg11 : memref<!tpu.dma_semaphore, #tpu.memory_space<semaphore_mem>>)
        %dma_start3A_320 = arith.constant 0 : i32
        %dma_start3A_321 = arith.constant 128 : i32
        %dma_start3A_322 = tpu.memref_slice %arg8[%dma_start3A_320, %dma_start3A_321] : memref<50x1000xf32, #tpu.memory_space<vmem>> -> memref<50x128xf32, #tpu.memory_space<vmem>>
        %dma_start3A_323 = arith.constant 0 : i32
        %dma_start3A_324 = tpu.memref_slice %arg6[%add3A_310, %dma_start3A_323] : memref<32x50xi32, #tpu.memory_space<vmem>> -> memref<1x50xi32, #tpu.memory_space<vmem>>
        %dma_start3A_325 = tpu.memref_squeeze %dma_start3A_324 : memref<1x50xi32, #tpu.memory_space<vmem>> -> memref<50xi32, #tpu.memory_space<vmem>>
        %dma_start3A_326 = arith.constant 0 : i32
        %dma_start3A_327 = arith.constant 128 : i32
        %dma_start3A_328 = tpu.memref_slice %arg3[%dma_start3A_326, %dma_start3A_327] : memref<1000x1000xf32, #tpu.memory_space<hbm>> -> memref<1000x128xf32, #tpu.memory_space<hbm>>
        tpu.enqueue_indirect_dma source(%dma_start3A_328 : memref<1000x128xf32, #tpu.memory_space<hbm>>) target(%dma_start3A_322 : memref<50x128xf32, #tpu.memory_space<vmem>>) offsets(%dma_start3A_325 : memref<50xi32, #tpu.memory_space<vmem>>) semaphore(%arg11 : memref<!tpu.dma_semaphore, #tpu.memory_space<semaphore_mem>>)
        %dma_start3A_329 = arith.constant 0 : i32
        %dma_start3A_330 = arith.constant 256 : i32
        %dma_start3A_331 = tpu.memref_slice %arg8[%dma_start3A_329, %dma_start3A_330] : memref<50x1000xf32, #tpu.memory_space<vmem>> -> memref<50x128xf32, #tpu.memory_space<vmem>>
        %dma_start3A_332 = arith.constant 0 : i32
        %dma_start3A_333 = tpu.memref_slice %arg6[%add3A_310, %dma_start3A_332] : memref<32x50xi32, #tpu.memory_space<vmem>> -> memref<1x50xi32, #tpu.memory_space<vmem>>
        %dma_start3A_334 = tpu.memref_squeeze %dma_start3A_333 : memref<1x50xi32, #tpu.memory_space<vmem>> -> memref<50xi32, #tpu.memory_space<vmem>>
        %dma_start3A_335 = arith.constant 0 : i32
        %dma_start3A_336 = arith.constant 256 : i32
        %dma_start3A_337 = tpu.memref_slice %arg3[%dma_start3A_335, %dma_start3A_336] : memref<1000x1000xf32, #tpu.memory_space<hbm>> -> memref<1000x128xf32, #tpu.memory_space<hbm>>
        tpu.enqueue_indirect_dma source(%dma_start3A_337 : memref<1000x128xf32, #tpu.memory_space<hbm>>) target(%dma_start3A_331 : memref<50x128xf32, #tpu.memory_space<vmem>>) offsets(%dma_start3A_334 : memref<50xi32, #tpu.memory_space<vmem>>) semaphore(%arg11 : memref<!tpu.dma_semaphore, #tpu.memory_space<semaphore_mem>>)
        %dma_start3A_338 = arith.constant 0 : i32
        %dma_start3A_339 = arith.constant 384 : i32
        %dma_start3A_340 = tpu.memref_slice %arg8[%dma_start3A_338, %dma_start3A_339] : memref<50x1000xf32, #tpu.memory_space<vmem>> -> memref<50x128xf32, #tpu.memory_space<vmem>>
        %dma_start3A_341 = arith.constant 0 : i32
        %dma_start3A_342 = tpu.memref_slice %arg6[%add3A_310, %dma_start3A_341] : memref<32x50xi32, #tpu.memory_space<vmem>> -> memref<1x50xi32, #tpu.memory_space<vmem>>
        %dma_start3A_343 = tpu.memref_squeeze %dma_start3A_342 : memref<1x50xi32, #tpu.memory_space<vmem>> -> memref<50xi32, #tpu.memory_space<vmem>>
        %dma_start3A_344 = arith.constant 0 : i32
        %dma_start3A_345 = arith.constant 384 : i32
        %dma_start3A_346 = tpu.memref_slice %arg3[%dma_start3A_344, %dma_start3A_345] : memref<1000x1000xf32, #tpu.memory_space<hbm>> -> memref<1000x128xf32, #tpu.memory_space<hbm>>
        tpu.enqueue_indirect_dma source(%dma_start3A_346 : memref<1000x128xf32, #tpu.memory_space<hbm>>) target(%dma_start3A_340 : memref<50x128xf32, #tpu.memory_space<vmem>>) offsets(%dma_start3A_343 : memref<50xi32, #tpu.memory_space<vmem>>) semaphore(%arg11 : memref<!tpu.dma_semaphore, #tpu.memory_space<semaphore_mem>>)
        %dma_start3A_347 = arith.constant 0 : i32
        %dma_start3A_348 = arith.constant 512 : i32
        %dma_start3A_349 = tpu.memref_slice %arg8[%dma_start3A_347, %dma_start3A_348] : memref<50x1000xf32, #tpu.memory_space<vmem>> -> memref<50x128xf32, #tpu.memory_space<vmem>>
        %dma_start3A_350 = arith.constant 0 : i32
        %dma_start3A_351 = tpu.memref_slice %arg6[%add3A_310, %dma_start3A_350] : memref<32x50xi32, #tpu.memory_space<vmem>> -> memref<1x50xi32, #tpu.memory_space<vmem>>
        %dma_start3A_352 = tpu.memref_squeeze %dma_start3A_351 : memref<1x50xi32, #tpu.memory_space<vmem>> -> memref<50xi32, #tpu.memory_space<vmem>>
        %dma_start3A_353 = arith.constant 0 : i32
        %dma_start3A_354 = arith.constant 512 : i32
        %dma_start3A_355 = tpu.memref_slice %arg3[%dma_start3A_353, %dma_start3A_354] : memref<1000x1000xf32, #tpu.memory_space<hbm>> -> memref<1000x128xf32, #tpu.memory_space<hbm>>
        tpu.enqueue_indirect_dma source(%dma_start3A_355 : memref<1000x128xf32, #tpu.memory_space<hbm>>) target(%dma_start3A_349 : memref<50x128xf32, #tpu.memory_space<vmem>>) offsets(%dma_start3A_352 : memref<50xi32, #tpu.memory_space<vmem>>) semaphore(%arg11 : memref<!tpu.dma_semaphore, #tpu.memory_space<semaphore_mem>>)
        %dma_start3A_356 = arith.constant 0 : i32
        %dma_start3A_357 = arith.constant 640 : i32
        %dma_start3A_358 = tpu.memref_slice %arg8[%dma_start3A_356, %dma_start3A_357] : memref<50x1000xf32, #tpu.memory_space<vmem>> -> memref<50x128xf32, #tpu.memory_space<vmem>>
        %dma_start3A_359 = arith.constant 0 : i32
        %dma_start3A_360 = tpu.memref_slice %arg6[%add3A_310, %dma_start3A_359] : memref<32x50xi32, #tpu.memory_space<vmem>> -> memref<1x50xi32, #tpu.memory_space<vmem>>
        %dma_start3A_361 = tpu.memref_squeeze %dma_start3A_360 : memref<1x50xi32, #tpu.memory_space<vmem>> -> memref<50xi32, #tpu.memory_space<vmem>>
        %dma_start3A_362 = arith.constant 0 : i32
        %dma_start3A_363 = arith.constant 640 : i32
        %dma_start3A_364 = tpu.memref_slice %arg3[%dma_start3A_362, %dma_start3A_363] : memref<1000x1000xf32, #tpu.memory_space<hbm>> -> memref<1000x128xf32, #tpu.memory_space<hbm>>
        tpu.enqueue_indirect_dma source(%dma_start3A_364 : memref<1000x128xf32, #tpu.memory_space<hbm>>) target(%dma_start3A_358 : memref<50x128xf32, #tpu.memory_space<vmem>>) offsets(%dma_start3A_361 : memref<50xi32, #tpu.memory_space<vmem>>) semaphore(%arg11 : memref<!tpu.dma_semaphore, #tpu.memory_space<semaphore_mem>>)
        %dma_start3A_365 = arith.constant 0 : i32
        %dma_start3A_366 = arith.constant 768 : i32
        %dma_start3A_367 = tpu.memref_slice %arg8[%dma_start3A_365, %dma_start3A_366] : memref<50x1000xf32, #tpu.memory_space<vmem>> -> memref<50x128xf32, #tpu.memory_space<vmem>>
        %dma_start3A_368 = arith.constant 0 : i32
        %dma_start3A_369 = tpu.memref_slice %arg6[%add3A_310, %dma_start3A_368] : memref<32x50xi32, #tpu.memory_space<vmem>> -> memref<1x50xi32, #tpu.memory_space<vmem>>
        %dma_start3A_370 = tpu.memref_squeeze %dma_start3A_369 : memref<1x50xi32, #tpu.memory_space<vmem>> -> memref<50xi32, #tpu.memory_space<vmem>>
        %dma_start3A_371 = arith.constant 0 : i32
        %dma_start3A_372 = arith.constant 768 : i32
        %dma_start3A_373 = tpu.memref_slice %arg3[%dma_start3A_371, %dma_start3A_372] : memref<1000x1000xf32, #tpu.memory_space<hbm>> -> memref<1000x128xf32, #tpu.memory_space<hbm>>
        tpu.enqueue_indirect_dma source(%dma_start3A_373 : memref<1000x128xf32, #tpu.memory_space<hbm>>) target(%dma_start3A_367 : memref<50x128xf32, #tpu.memory_space<vmem>>) offsets(%dma_start3A_370 : memref<50xi32, #tpu.memory_space<vmem>>) semaphore(%arg11 : memref<!tpu.dma_semaphore, #tpu.memory_space<semaphore_mem>>)
        %dma_start3A_374 = arith.constant 0 : i32
        %dma_start3A_375 = tpu.memref_slice %arg6[%add3A_310, %dma_start3A_374] : memref<32x50xi32, #tpu.memory_space<vmem>> -> memref<1x50xi32, #tpu.memory_space<vmem>>
        %dma_start3A_376 = tpu.memref_squeeze %dma_start3A_375 : memref<1x50xi32, #tpu.memory_space<vmem>> -> memref<50xi32, #tpu.memory_space<vmem>>
        %dma_start3A_377 = arith.constant 0 : i32
        %dma_start3A_378 = arith.constant 0 : i32
        %dma_start3A_379 = tpu.memref_slice %arg4[%dma_start3A_377, %dma_start3A_378] : memref<1000x128xf32, #tpu.memory_space<hbm>> -> memref<1000x128xf32, #tpu.memory_space<hbm>>
        tpu.enqueue_indirect_dma source(%dma_start3A_379 : memref<1000x128xf32, #tpu.memory_space<hbm>>) target(%arg9 : memref<50x128xf32, #tpu.memory_space<vmem>>) offsets(%dma_start3A_376 : memref<50xi32, #tpu.memory_space<vmem>>) semaphore(%arg12 : memref<!tpu.dma_semaphore, #tpu.memory_space<semaphore_mem>>)
      } else {
      }
      %add3A_200 = arith.addi %mul3A_2, %add3A_115 : i32
      %dma_start3A_201 = arith.constant 0 : i32
      %dma_start3A_202 = arith.constant 0 : i32
      %dma_start3A_203 = tpu.memref_slice %arg5[%add3A_200, %dma_start3A_201, %dma_start3A_202] : memref<1024x50x1000xf32, #tpu.memory_space<hbm>> -> memref<1x50x1000xf32, #tpu.memory_space<hbm>>
      %dma_start3A_204 = tpu.memref_squeeze %dma_start3A_203 : memref<1x50x1000xf32, #tpu.memory_space<hbm>> -> memref<50x1000xf32, #tpu.memory_space<hbm>>
      %dma_start3A_205 = arith.constant 0 : i32
      %dma_start3A_206 = arith.constant 0 : i32
      %dma_start3A_207 = tpu.memref_slice %arg5[%add3A_200, %dma_start3A_205, %dma_start3A_206] : memref<1024x50x1000xf32, #tpu.memory_space<hbm>> -> memref<1x50x1000xf32, #tpu.memory_space<hbm>>
      %dma_start3A_208 = tpu.memref_squeeze %dma_start3A_207 : memref<1x50x1000xf32, #tpu.memory_space<hbm>> -> memref<50x1000xf32, #tpu.memory_space<hbm>>
      tpu.enqueue_dma source(%arg7 : memref<50x1000xf32, #tpu.memory_space<vmem>>) target(%dma_start3A_208 : memref<50x1000xf32, #tpu.memory_space<hbm>>) target_semaphore(%arg13 : memref<!tpu.dma_semaphore, #tpu.memory_space<semaphore_mem>>)
      %mul3A_209 = arith.constant 2 : i32
      %mul3A_210 = arith.muli %mul3A_209, %scan3A_111 : i32
      %add3A_211 = arith.constant 1 : i32
      %add3A_212 = arith.addi %mul3A_210, %add3A_211 : i32
      %dma_wait3A_213 = arith.constant 0 : i32
      %dma_wait3A_214 = tpu.memref_slice %arg6[%add3A_212, %dma_wait3A_213] : memref<32x50xi32, #tpu.memory_space<vmem>> -> memref<1x50xi32, #tpu.memory_space<vmem>>
      %dma_wait3A_215 = tpu.memref_squeeze %dma_wait3A_214 : memref<1x50xi32, #tpu.memory_space<vmem>> -> memref<50xi32, #tpu.memory_space<vmem>>
      %dma_wait3A_216 = arith.constant 0 : i32
      %dma_wait3A_217 = arith.constant 0 : i32
      %dma_wait3A_218 = tpu.memref_slice %arg4[%dma_wait3A_216, %dma_wait3A_217] : memref<1000x128xf32, #tpu.memory_space<hbm>> -> memref<1000x128xf32, #tpu.memory_space<hbm>>
      tpu.wait_indirect_dma semaphore(%arg12 : memref<!tpu.dma_semaphore, #tpu.memory_space<semaphore_mem>>) src(%dma_wait3A_218 : memref<1000x128xf32, #tpu.memory_space<hbm>>) dst(%arg9 : memref<50x128xf32, #tpu.memory_space<vmem>>)
      %scan3A_219 = arith.constant 0 : i32
      %scan3A_220 = arith.constant 0 : i32
      %scan3A_221 = arith.constant 50 : i32
      %scan3A_222 = arith.addi %scan3A_220, %scan3A_221 : i32
      %scan3A_223 = arith.constant 1 : i32
      scf.for %scan3A_309 = %scan3A_220 to %scan3A_222 step %scan3A_223  : i32 {
        %get3A = arith.index_cast %scan3A_309 : i32 to index
        %get3A_310 = arith.constant 24 : index
        %get3A_311 = tpu.vector_load %arg9[%get3A, %get3A_310] {strides = array<i32>} : memref<50x128xf32, #tpu.memory_space<vmem>>, vector<16xf32>,
        %swap3A = arith.index_cast %scan3A_309 : i32 to index
        %swap3A_312 = arith.constant 896 : index
        %swap3A_313 = tpu.vector_load %arg8[%swap3A, %swap3A_312] {strides = array<i32>} : memref<50x1000xf32, #tpu.memory_space<vmem>>, vector<16xf32>,
        tpu.vector_store %arg8[%swap3A, %swap3A_312], %get3A_311 {strides = array<i32>} : memref<50x1000xf32, #tpu.memory_space<vmem>>, vector<16xf32>,
        %get3A_314 = arith.index_cast %scan3A_309 : i32 to index
        %get3A_315 = arith.constant 40 : index
        %get3A_316 = tpu.vector_load %arg9[%get3A_314, %get3A_315] {strides = array<i32>} : memref<50x128xf32, #tpu.memory_space<vmem>>, vector<16xf32>,
        %swap3A_317 = arith.index_cast %scan3A_309 : i32 to index
        %swap3A_318 = arith.constant 912 : index
        %swap3A_319 = tpu.vector_load %arg8[%swap3A_317, %swap3A_318] {strides = array<i32>} : memref<50x1000xf32, #tpu.memory_space<vmem>>, vector<16xf32>,
        tpu.vector_store %arg8[%swap3A_317, %swap3A_318], %get3A_316 {strides = array<i32>} : memref<50x1000xf32, #tpu.memory_space<vmem>>, vector<16xf32>,
        %get3A_320 = arith.index_cast %scan3A_309 : i32 to index
        %get3A_321 = arith.constant 56 : index
        %get3A_322 = tpu.vector_load %arg9[%get3A_320, %get3A_321] {strides = array<i32>} : memref<50x128xf32, #tpu.memory_space<vmem>>, vector<16xf32>,
        %swap3A_323 = arith.index_cast %scan3A_309 : i32 to index
        %swap3A_324 = arith.constant 928 : index
        %swap3A_325 = tpu.vector_load %arg8[%swap3A_323, %swap3A_324] {strides = array<i32>} : memref<50x1000xf32, #tpu.memory_space<vmem>>, vector<16xf32>,
        tpu.vector_store %arg8[%swap3A_323, %swap3A_324], %get3A_322 {strides = array<i32>} : memref<50x1000xf32, #tpu.memory_space<vmem>>, vector<16xf32>,
        %get3A_326 = arith.index_cast %scan3A_309 : i32 to index
        %get3A_327 = arith.constant 72 : index
        %get3A_328 = tpu.vector_load %arg9[%get3A_326, %get3A_327] {strides = array<i32>} : memref<50x128xf32, #tpu.memory_space<vmem>>, vector<16xf32>,
        %swap3A_329 = arith.index_cast %scan3A_309 : i32 to index
        %swap3A_330 = arith.constant 944 : index
        %swap3A_331 = tpu.vector_load %arg8[%swap3A_329, %swap3A_330] {strides = array<i32>} : memref<50x1000xf32, #tpu.memory_space<vmem>>, vector<16xf32>,
        tpu.vector_store %arg8[%swap3A_329, %swap3A_330], %get3A_328 {strides = array<i32>} : memref<50x1000xf32, #tpu.memory_space<vmem>>, vector<16xf32>,
        %get3A_332 = arith.index_cast %scan3A_309 : i32 to index
        %get3A_333 = arith.constant 88 : index
        %get3A_334 = tpu.vector_load %arg9[%get3A_332, %get3A_333] {strides = array<i32>} : memref<50x128xf32, #tpu.memory_space<vmem>>, vector<16xf32>,
        %swap3A_335 = arith.index_cast %scan3A_309 : i32 to index
        %swap3A_336 = arith.constant 960 : index
        %swap3A_337 = tpu.vector_load %arg8[%swap3A_335, %swap3A_336] {strides = array<i32>} : memref<50x1000xf32, #tpu.memory_space<vmem>>, vector<16xf32>,
        tpu.vector_store %arg8[%swap3A_335, %swap3A_336], %get3A_334 {strides = array<i32>} : memref<50x1000xf32, #tpu.memory_space<vmem>>, vector<16xf32>,
        %get3A_338 = arith.index_cast %scan3A_309 : i32 to index
        %get3A_339 = arith.constant 104 : index
        %get3A_340 = tpu.vector_load %arg9[%get3A_338, %get3A_339] {strides = array<i32>} : memref<50x128xf32, #tpu.memory_space<vmem>>, vector<16xf32>,
        %swap3A_341 = arith.index_cast %scan3A_309 : i32 to index
        %swap3A_342 = arith.constant 976 : index
        %swap3A_343 = tpu.vector_load %arg8[%swap3A_341, %swap3A_342] {strides = array<i32>} : memref<50x1000xf32, #tpu.memory_space<vmem>>, vector<16xf32>,
        tpu.vector_store %arg8[%swap3A_341, %swap3A_342], %get3A_340 {strides = array<i32>} : memref<50x1000xf32, #tpu.memory_space<vmem>>, vector<16xf32>,
        %broadcast_in_dim3A = vector.broadcast %scan3A_309 : i32 to vector<16xi32>
        %gather3A = tpu.vector_load_idx %arg9[%broadcast_in_dim3A, %select_n3A] : memref<50x128xf32, #tpu.memory_space<vmem>>[vector<16xi32>, vector<16xi32>], vector<16xf32>,
        tpu.vector_store_idx %arg8[%broadcast_in_dim3A, %select_n3A_20], %gather3A : memref<50x1000xf32, #tpu.memory_space<vmem>>[vector<16xi32>, vector<16xi32>], vector<16xf32>,
      }
      %scan3A_224 = arith.constant 50 : i32
      %dma_wait3A_225 = arith.constant 0 : i32
      %dma_wait3A_226 = arith.constant 0 : i32
      %dma_wait3A_227 = tpu.memref_slice %arg8[%dma_wait3A_225, %dma_wait3A_226] : memref<50x1000xf32, #tpu.memory_space<vmem>> -> memref<50x128xf32, #tpu.memory_space<vmem>>
      %dma_wait3A_228 = arith.constant 0 : i32
      %dma_wait3A_229 = tpu.memref_slice %arg6[%add3A_212, %dma_wait3A_228] : memref<32x50xi32, #tpu.memory_space<vmem>> -> memref<1x50xi32, #tpu.memory_space<vmem>>
      %dma_wait3A_230 = tpu.memref_squeeze %dma_wait3A_229 : memref<1x50xi32, #tpu.memory_space<vmem>> -> memref<50xi32, #tpu.memory_space<vmem>>
      %dma_wait3A_231 = arith.constant 0 : i32
      %dma_wait3A_232 = arith.constant 0 : i32
      %dma_wait3A_233 = tpu.memref_slice %arg3[%dma_wait3A_231, %dma_wait3A_232] : memref<1000x1000xf32, #tpu.memory_space<hbm>> -> memref<1000x128xf32, #tpu.memory_space<hbm>>
      tpu.wait_indirect_dma semaphore(%arg11 : memref<!tpu.dma_semaphore, #tpu.memory_space<semaphore_mem>>) src(%dma_wait3A_233 : memref<1000x128xf32, #tpu.memory_space<hbm>>) dst(%dma_wait3A_227 : memref<50x128xf32, #tpu.memory_space<vmem>>)
      %dma_wait3A_234 = arith.constant 0 : i32
      %dma_wait3A_235 = arith.constant 128 : i32
      %dma_wait3A_236 = tpu.memref_slice %arg8[%dma_wait3A_234, %dma_wait3A_235] : memref<50x1000xf32, #tpu.memory_space<vmem>> -> memref<50x128xf32, #tpu.memory_space<vmem>>
      %dma_wait3A_237 = arith.constant 0 : i32
      %dma_wait3A_238 = tpu.memref_slice %arg6[%add3A_212, %dma_wait3A_237] : memref<32x50xi32, #tpu.memory_space<vmem>> -> memref<1x50xi32, #tpu.memory_space<vmem>>
      %dma_wait3A_239 = tpu.memref_squeeze %dma_wait3A_238 : memref<1x50xi32, #tpu.memory_space<vmem>> -> memref<50xi32, #tpu.memory_space<vmem>>
      %dma_wait3A_240 = arith.constant 0 : i32
      %dma_wait3A_241 = arith.constant 128 : i32
      %dma_wait3A_242 = tpu.memref_slice %arg3[%dma_wait3A_240, %dma_wait3A_241] : memref<1000x1000xf32, #tpu.memory_space<hbm>> -> memref<1000x128xf32, #tpu.memory_space<hbm>>
      tpu.wait_indirect_dma semaphore(%arg11 : memref<!tpu.dma_semaphore, #tpu.memory_space<semaphore_mem>>) src(%dma_wait3A_242 : memref<1000x128xf32, #tpu.memory_space<hbm>>) dst(%dma_wait3A_236 : memref<50x128xf32, #tpu.memory_space<vmem>>)
      %dma_wait3A_243 = arith.constant 0 : i32
      %dma_wait3A_244 = arith.constant 256 : i32
      %dma_wait3A_245 = tpu.memref_slice %arg8[%dma_wait3A_243, %dma_wait3A_244] : memref<50x1000xf32, #tpu.memory_space<vmem>> -> memref<50x128xf32, #tpu.memory_space<vmem>>
      %dma_wait3A_246 = arith.constant 0 : i32
      %dma_wait3A_247 = tpu.memref_slice %arg6[%add3A_212, %dma_wait3A_246] : memref<32x50xi32, #tpu.memory_space<vmem>> -> memref<1x50xi32, #tpu.memory_space<vmem>>
      %dma_wait3A_248 = tpu.memref_squeeze %dma_wait3A_247 : memref<1x50xi32, #tpu.memory_space<vmem>> -> memref<50xi32, #tpu.memory_space<vmem>>
      %dma_wait3A_249 = arith.constant 0 : i32
      %dma_wait3A_250 = arith.constant 256 : i32
      %dma_wait3A_251 = tpu.memref_slice %arg3[%dma_wait3A_249, %dma_wait3A_250] : memref<1000x1000xf32, #tpu.memory_space<hbm>> -> memref<1000x128xf32, #tpu.memory_space<hbm>>
      tpu.wait_indirect_dma semaphore(%arg11 : memref<!tpu.dma_semaphore, #tpu.memory_space<semaphore_mem>>) src(%dma_wait3A_251 : memref<1000x128xf32, #tpu.memory_space<hbm>>) dst(%dma_wait3A_245 : memref<50x128xf32, #tpu.memory_space<vmem>>)
      %dma_wait3A_252 = arith.constant 0 : i32
      %dma_wait3A_253 = arith.constant 384 : i32
      %dma_wait3A_254 = tpu.memref_slice %arg8[%dma_wait3A_252, %dma_wait3A_253] : memref<50x1000xf32, #tpu.memory_space<vmem>> -> memref<50x128xf32, #tpu.memory_space<vmem>>
      %dma_wait3A_255 = arith.constant 0 : i32
      %dma_wait3A_256 = tpu.memref_slice %arg6[%add3A_212, %dma_wait3A_255] : memref<32x50xi32, #tpu.memory_space<vmem>> -> memref<1x50xi32, #tpu.memory_space<vmem>>
      %dma_wait3A_257 = tpu.memref_squeeze %dma_wait3A_256 : memref<1x50xi32, #tpu.memory_space<vmem>> -> memref<50xi32, #tpu.memory_space<vmem>>
      %dma_wait3A_258 = arith.constant 0 : i32
      %dma_wait3A_259 = arith.constant 384 : i32
      %dma_wait3A_260 = tpu.memref_slice %arg3[%dma_wait3A_258, %dma_wait3A_259] : memref<1000x1000xf32, #tpu.memory_space<hbm>> -> memref<1000x128xf32, #tpu.memory_space<hbm>>
      tpu.wait_indirect_dma semaphore(%arg11 : memref<!tpu.dma_semaphore, #tpu.memory_space<semaphore_mem>>) src(%dma_wait3A_260 : memref<1000x128xf32, #tpu.memory_space<hbm>>) dst(%dma_wait3A_254 : memref<50x128xf32, #tpu.memory_space<vmem>>)
      %dma_wait3A_261 = arith.constant 0 : i32
      %dma_wait3A_262 = arith.constant 512 : i32
      %dma_wait3A_263 = tpu.memref_slice %arg8[%dma_wait3A_261, %dma_wait3A_262] : memref<50x1000xf32, #tpu.memory_space<vmem>> -> memref<50x128xf32, #tpu.memory_space<vmem>>
      %dma_wait3A_264 = arith.constant 0 : i32
      %dma_wait3A_265 = tpu.memref_slice %arg6[%add3A_212, %dma_wait3A_264] : memref<32x50xi32, #tpu.memory_space<vmem>> -> memref<1x50xi32, #tpu.memory_space<vmem>>
      %dma_wait3A_266 = tpu.memref_squeeze %dma_wait3A_265 : memref<1x50xi32, #tpu.memory_space<vmem>> -> memref<50xi32, #tpu.memory_space<vmem>>
      %dma_wait3A_267 = arith.constant 0 : i32
      %dma_wait3A_268 = arith.constant 512 : i32
      %dma_wait3A_269 = tpu.memref_slice %arg3[%dma_wait3A_267, %dma_wait3A_268] : memref<1000x1000xf32, #tpu.memory_space<hbm>> -> memref<1000x128xf32, #tpu.memory_space<hbm>>
      tpu.wait_indirect_dma semaphore(%arg11 : memref<!tpu.dma_semaphore, #tpu.memory_space<semaphore_mem>>) src(%dma_wait3A_269 : memref<1000x128xf32, #tpu.memory_space<hbm>>) dst(%dma_wait3A_263 : memref<50x128xf32, #tpu.memory_space<vmem>>)
      %dma_wait3A_270 = arith.constant 0 : i32
      %dma_wait3A_271 = arith.constant 640 : i32
      %dma_wait3A_272 = tpu.memref_slice %arg8[%dma_wait3A_270, %dma_wait3A_271] : memref<50x1000xf32, #tpu.memory_space<vmem>> -> memref<50x128xf32, #tpu.memory_space<vmem>>
      %dma_wait3A_273 = arith.constant 0 : i32
      %dma_wait3A_274 = tpu.memref_slice %arg6[%add3A_212, %dma_wait3A_273] : memref<32x50xi32, #tpu.memory_space<vmem>> -> memref<1x50xi32, #tpu.memory_space<vmem>>
      %dma_wait3A_275 = tpu.memref_squeeze %dma_wait3A_274 : memref<1x50xi32, #tpu.memory_space<vmem>> -> memref<50xi32, #tpu.memory_space<vmem>>
      %dma_wait3A_276 = arith.constant 0 : i32
      %dma_wait3A_277 = arith.constant 640 : i32
      %dma_wait3A_278 = tpu.memref_slice %arg3[%dma_wait3A_276, %dma_wait3A_277] : memref<1000x1000xf32, #tpu.memory_space<hbm>> -> memref<1000x128xf32, #tpu.memory_space<hbm>>
      tpu.wait_indirect_dma semaphore(%arg11 : memref<!tpu.dma_semaphore, #tpu.memory_space<semaphore_mem>>) src(%dma_wait3A_278 : memref<1000x128xf32, #tpu.memory_space<hbm>>) dst(%dma_wait3A_272 : memref<50x128xf32, #tpu.memory_space<vmem>>)
      %dma_wait3A_279 = arith.constant 0 : i32
      %dma_wait3A_280 = arith.constant 768 : i32
      %dma_wait3A_281 = tpu.memref_slice %arg8[%dma_wait3A_279, %dma_wait3A_280] : memref<50x1000xf32, #tpu.memory_space<vmem>> -> memref<50x128xf32, #tpu.memory_space<vmem>>
      %dma_wait3A_282 = arith.constant 0 : i32
      %dma_wait3A_283 = tpu.memref_slice %arg6[%add3A_212, %dma_wait3A_282] : memref<32x50xi32, #tpu.memory_space<vmem>> -> memref<1x50xi32, #tpu.memory_space<vmem>>
      %dma_wait3A_284 = tpu.memref_squeeze %dma_wait3A_283 : memref<1x50xi32, #tpu.memory_space<vmem>> -> memref<50xi32, #tpu.memory_space<vmem>>
      %dma_wait3A_285 = arith.constant 0 : i32
      %dma_wait3A_286 = arith.constant 768 : i32
      %dma_wait3A_287 = tpu.memref_slice %arg3[%dma_wait3A_285, %dma_wait3A_286] : memref<1000x1000xf32, #tpu.memory_space<hbm>> -> memref<1000x128xf32, #tpu.memory_space<hbm>>
      tpu.wait_indirect_dma semaphore(%arg11 : memref<!tpu.dma_semaphore, #tpu.memory_space<semaphore_mem>>) src(%dma_wait3A_287 : memref<1000x128xf32, #tpu.memory_space<hbm>>) dst(%dma_wait3A_281 : memref<50x128xf32, #tpu.memory_space<vmem>>)
      %ge3A_288 = arith.constant 1 : i32
      %ge3A_289 = arith.cmpi sge, %add3A_212, %ge3A_288 : i32
      %convert_element_type3A_290 = arith.extui %ge3A_289 : i1 to i32
      %cond3A_291 = arith.constant 0 : i32
      %cond3A_292 = arith.cmpi ne, %convert_element_type3A_290, %cond3A_291 : i32
      scf.if %cond3A_292 {
        %add3A_309 = arith.addi %mul3A_2, %add3A_212 : i32
        %sub3A = arith.constant 1 : i32
        %sub3A_310 = arith.subi %add3A_309, %sub3A : i32
        %dma_wait3A_311 = arith.constant 0 : i32
        %dma_wait3A_312 = arith.constant 0 : i32
        %dma_wait3A_313 = tpu.memref_slice %arg5[%sub3A_310, %dma_wait3A_311, %dma_wait3A_312] : memref<1024x50x1000xf32, #tpu.memory_space<hbm>> -> memref<1x50x1000xf32, #tpu.memory_space<hbm>>
        %dma_wait3A_314 = tpu.memref_squeeze %dma_wait3A_313 : memref<1x50x1000xf32, #tpu.memory_space<hbm>> -> memref<50x1000xf32, #tpu.memory_space<hbm>>
        %dma_wait3A_315 = arith.constant 0 : i32
        %dma_wait3A_316 = arith.constant 0 : i32
        %dma_wait3A_317 = tpu.memref_slice %arg5[%sub3A_310, %dma_wait3A_315, %dma_wait3A_316] : memref<1024x50x1000xf32, #tpu.memory_space<hbm>> -> memref<1x50x1000xf32, #tpu.memory_space<hbm>>
        %dma_wait3A_318 = tpu.memref_squeeze %dma_wait3A_317 : memref<1x50x1000xf32, #tpu.memory_space<hbm>> -> memref<50x1000xf32, #tpu.memory_space<hbm>>
        tpu.wait_dma2 semaphore(%arg13 : memref<!tpu.dma_semaphore, #tpu.memory_space<semaphore_mem>>) src(%arg7 : memref<50x1000xf32, #tpu.memory_space<vmem>>) dst(%dma_wait3A_318 : memref<50x1000xf32, #tpu.memory_space<hbm>>)
      } else {
      }
      %add3A_293 = arith.constant 1 : i32
      %add3A_294 = arith.addi %add3A_212, %add3A_293 : i32
      %lt3A_295 = arith.constant 32 : i32
      %lt3A_296 = arith.cmpi slt, %add3A_294, %lt3A_295 : i32
      %convert_element_type3A_297 = arith.extui %lt3A_296 : i1 to i32
      %cond3A_298 = arith.constant 0 : i32
      %cond3A_299 = arith.cmpi ne, %convert_element_type3A_297, %cond3A_298 : i32
      scf.if %cond3A_299 {
        %add3A_309 = arith.constant 1 : i32
        %add3A_310 = arith.addi %add3A_212, %add3A_309 : i32
        %dma_start3A_311 = arith.constant 0 : i32
        %dma_start3A_312 = arith.constant 0 : i32
        %dma_start3A_313 = tpu.memref_slice %arg7[%dma_start3A_311, %dma_start3A_312] : memref<50x1000xf32, #tpu.memory_space<vmem>> -> memref<50x128xf32, #tpu.memory_space<vmem>>
        %dma_start3A_314 = arith.constant 0 : i32
        %dma_start3A_315 = tpu.memref_slice %arg6[%add3A_310, %dma_start3A_314] : memref<32x50xi32, #tpu.memory_space<vmem>> -> memref<1x50xi32, #tpu.memory_space<vmem>>
        %dma_start3A_316 = tpu.memref_squeeze %dma_start3A_315 : memref<1x50xi32, #tpu.memory_space<vmem>> -> memref<50xi32, #tpu.memory_space<vmem>>
        %dma_start3A_317 = arith.constant 0 : i32
        %dma_start3A_318 = arith.constant 0 : i32
        %dma_start3A_319 = tpu.memref_slice %arg3[%dma_start3A_317, %dma_start3A_318] : memref<1000x1000xf32, #tpu.memory_space<hbm>> -> memref<1000x128xf32, #tpu.memory_space<hbm>>
        tpu.enqueue_indirect_dma source(%dma_start3A_319 : memref<1000x128xf32, #tpu.memory_space<hbm>>) target(%dma_start3A_313 : memref<50x128xf32, #tpu.memory_space<vmem>>) offsets(%dma_start3A_316 : memref<50xi32, #tpu.memory_space<vmem>>) semaphore(%arg10 : memref<!tpu.dma_semaphore, #tpu.memory_space<semaphore_mem>>)
        %dma_start3A_320 = arith.constant 0 : i32
        %dma_start3A_321 = arith.constant 128 : i32
        %dma_start3A_322 = tpu.memref_slice %arg7[%dma_start3A_320, %dma_start3A_321] : memref<50x1000xf32, #tpu.memory_space<vmem>> -> memref<50x128xf32, #tpu.memory_space<vmem>>
        %dma_start3A_323 = arith.constant 0 : i32
        %dma_start3A_324 = tpu.memref_slice %arg6[%add3A_310, %dma_start3A_323] : memref<32x50xi32, #tpu.memory_space<vmem>> -> memref<1x50xi32, #tpu.memory_space<vmem>>
        %dma_start3A_325 = tpu.memref_squeeze %dma_start3A_324 : memref<1x50xi32, #tpu.memory_space<vmem>> -> memref<50xi32, #tpu.memory_space<vmem>>
        %dma_start3A_326 = arith.constant 0 : i32
        %dma_start3A_327 = arith.constant 128 : i32
        %dma_start3A_328 = tpu.memref_slice %arg3[%dma_start3A_326, %dma_start3A_327] : memref<1000x1000xf32, #tpu.memory_space<hbm>> -> memref<1000x128xf32, #tpu.memory_space<hbm>>
        tpu.enqueue_indirect_dma source(%dma_start3A_328 : memref<1000x128xf32, #tpu.memory_space<hbm>>) target(%dma_start3A_322 : memref<50x128xf32, #tpu.memory_space<vmem>>) offsets(%dma_start3A_325 : memref<50xi32, #tpu.memory_space<vmem>>) semaphore(%arg10 : memref<!tpu.dma_semaphore, #tpu.memory_space<semaphore_mem>>)
        %dma_start3A_329 = arith.constant 0 : i32
        %dma_start3A_330 = arith.constant 256 : i32
        %dma_start3A_331 = tpu.memref_slice %arg7[%dma_start3A_329, %dma_start3A_330] : memref<50x1000xf32, #tpu.memory_space<vmem>> -> memref<50x128xf32, #tpu.memory_space<vmem>>
        %dma_start3A_332 = arith.constant 0 : i32
        %dma_start3A_333 = tpu.memref_slice %arg6[%add3A_310, %dma_start3A_332] : memref<32x50xi32, #tpu.memory_space<vmem>> -> memref<1x50xi32, #tpu.memory_space<vmem>>
        %dma_start3A_334 = tpu.memref_squeeze %dma_start3A_333 : memref<1x50xi32, #tpu.memory_space<vmem>> -> memref<50xi32, #tpu.memory_space<vmem>>
        %dma_start3A_335 = arith.constant 0 : i32
        %dma_start3A_336 = arith.constant 256 : i32
        %dma_start3A_337 = tpu.memref_slice %arg3[%dma_start3A_335, %dma_start3A_336] : memref<1000x1000xf32, #tpu.memory_space<hbm>> -> memref<1000x128xf32, #tpu.memory_space<hbm>>
        tpu.enqueue_indirect_dma source(%dma_start3A_337 : memref<1000x128xf32, #tpu.memory_space<hbm>>) target(%dma_start3A_331 : memref<50x128xf32, #tpu.memory_space<vmem>>) offsets(%dma_start3A_334 : memref<50xi32, #tpu.memory_space<vmem>>) semaphore(%arg10 : memref<!tpu.dma_semaphore, #tpu.memory_space<semaphore_mem>>)
        %dma_start3A_338 = arith.constant 0 : i32
        %dma_start3A_339 = arith.constant 384 : i32
        %dma_start3A_340 = tpu.memref_slice %arg7[%dma_start3A_338, %dma_start3A_339] : memref<50x1000xf32, #tpu.memory_space<vmem>> -> memref<50x128xf32, #tpu.memory_space<vmem>>
        %dma_start3A_341 = arith.constant 0 : i32
        %dma_start3A_342 = tpu.memref_slice %arg6[%add3A_310, %dma_start3A_341] : memref<32x50xi32, #tpu.memory_space<vmem>> -> memref<1x50xi32, #tpu.memory_space<vmem>>
        %dma_start3A_343 = tpu.memref_squeeze %dma_start3A_342 : memref<1x50xi32, #tpu.memory_space<vmem>> -> memref<50xi32, #tpu.memory_space<vmem>>
        %dma_start3A_344 = arith.constant 0 : i32
        %dma_start3A_345 = arith.constant 384 : i32
        %dma_start3A_346 = tpu.memref_slice %arg3[%dma_start3A_344, %dma_start3A_345] : memref<1000x1000xf32, #tpu.memory_space<hbm>> -> memref<1000x128xf32, #tpu.memory_space<hbm>>
        tpu.enqueue_indirect_dma source(%dma_start3A_346 : memref<1000x128xf32, #tpu.memory_space<hbm>>) target(%dma_start3A_340 : memref<50x128xf32, #tpu.memory_space<vmem>>) offsets(%dma_start3A_343 : memref<50xi32, #tpu.memory_space<vmem>>) semaphore(%arg10 : memref<!tpu.dma_semaphore, #tpu.memory_space<semaphore_mem>>)
        %dma_start3A_347 = arith.constant 0 : i32
        %dma_start3A_348 = arith.constant 512 : i32
        %dma_start3A_349 = tpu.memref_slice %arg7[%dma_start3A_347, %dma_start3A_348] : memref<50x1000xf32, #tpu.memory_space<vmem>> -> memref<50x128xf32, #tpu.memory_space<vmem>>
        %dma_start3A_350 = arith.constant 0 : i32
        %dma_start3A_351 = tpu.memref_slice %arg6[%add3A_310, %dma_start3A_350] : memref<32x50xi32, #tpu.memory_space<vmem>> -> memref<1x50xi32, #tpu.memory_space<vmem>>
        %dma_start3A_352 = tpu.memref_squeeze %dma_start3A_351 : memref<1x50xi32, #tpu.memory_space<vmem>> -> memref<50xi32, #tpu.memory_space<vmem>>
        %dma_start3A_353 = arith.constant 0 : i32
        %dma_start3A_354 = arith.constant 512 : i32
        %dma_start3A_355 = tpu.memref_slice %arg3[%dma_start3A_353, %dma_start3A_354] : memref<1000x1000xf32, #tpu.memory_space<hbm>> -> memref<1000x128xf32, #tpu.memory_space<hbm>>
        tpu.enqueue_indirect_dma source(%dma_start3A_355 : memref<1000x128xf32, #tpu.memory_space<hbm>>) target(%dma_start3A_349 : memref<50x128xf32, #tpu.memory_space<vmem>>) offsets(%dma_start3A_352 : memref<50xi32, #tpu.memory_space<vmem>>) semaphore(%arg10 : memref<!tpu.dma_semaphore, #tpu.memory_space<semaphore_mem>>)
        %dma_start3A_356 = arith.constant 0 : i32
        %dma_start3A_357 = arith.constant 640 : i32
        %dma_start3A_358 = tpu.memref_slice %arg7[%dma_start3A_356, %dma_start3A_357] : memref<50x1000xf32, #tpu.memory_space<vmem>> -> memref<50x128xf32, #tpu.memory_space<vmem>>
        %dma_start3A_359 = arith.constant 0 : i32
        %dma_start3A_360 = tpu.memref_slice %arg6[%add3A_310, %dma_start3A_359] : memref<32x50xi32, #tpu.memory_space<vmem>> -> memref<1x50xi32, #tpu.memory_space<vmem>>
        %dma_start3A_361 = tpu.memref_squeeze %dma_start3A_360 : memref<1x50xi32, #tpu.memory_space<vmem>> -> memref<50xi32, #tpu.memory_space<vmem>>
        %dma_start3A_362 = arith.constant 0 : i32
        %dma_start3A_363 = arith.constant 640 : i32
        %dma_start3A_364 = tpu.memref_slice %arg3[%dma_start3A_362, %dma_start3A_363] : memref<1000x1000xf32, #tpu.memory_space<hbm>> -> memref<1000x128xf32, #tpu.memory_space<hbm>>
        tpu.enqueue_indirect_dma source(%dma_start3A_364 : memref<1000x128xf32, #tpu.memory_space<hbm>>) target(%dma_start3A_358 : memref<50x128xf32, #tpu.memory_space<vmem>>) offsets(%dma_start3A_361 : memref<50xi32, #tpu.memory_space<vmem>>) semaphore(%arg10 : memref<!tpu.dma_semaphore, #tpu.memory_space<semaphore_mem>>)
        %dma_start3A_365 = arith.constant 0 : i32
        %dma_start3A_366 = arith.constant 768 : i32
        %dma_start3A_367 = tpu.memref_slice %arg7[%dma_start3A_365, %dma_start3A_366] : memref<50x1000xf32, #tpu.memory_space<vmem>> -> memref<50x128xf32, #tpu.memory_space<vmem>>
        %dma_start3A_368 = arith.constant 0 : i32
        %dma_start3A_369 = tpu.memref_slice %arg6[%add3A_310, %dma_start3A_368] : memref<32x50xi32, #tpu.memory_space<vmem>> -> memref<1x50xi32, #tpu.memory_space<vmem>>
        %dma_start3A_370 = tpu.memref_squeeze %dma_start3A_369 : memref<1x50xi32, #tpu.memory_space<vmem>> -> memref<50xi32, #tpu.memory_space<vmem>>
        %dma_start3A_371 = arith.constant 0 : i32
        %dma_start3A_372 = arith.constant 768 : i32
        %dma_start3A_373 = tpu.memref_slice %arg3[%dma_start3A_371, %dma_start3A_372] : memref<1000x1000xf32, #tpu.memory_space<hbm>> -> memref<1000x128xf32, #tpu.memory_space<hbm>>
        tpu.enqueue_indirect_dma source(%dma_start3A_373 : memref<1000x128xf32, #tpu.memory_space<hbm>>) target(%dma_start3A_367 : memref<50x128xf32, #tpu.memory_space<vmem>>) offsets(%dma_start3A_370 : memref<50xi32, #tpu.memory_space<vmem>>) semaphore(%arg10 : memref<!tpu.dma_semaphore, #tpu.memory_space<semaphore_mem>>)
        %dma_start3A_374 = arith.constant 0 : i32
        %dma_start3A_375 = tpu.memref_slice %arg6[%add3A_310, %dma_start3A_374] : memref<32x50xi32, #tpu.memory_space<vmem>> -> memref<1x50xi32, #tpu.memory_space<vmem>>
        %dma_start3A_376 = tpu.memref_squeeze %dma_start3A_375 : memref<1x50xi32, #tpu.memory_space<vmem>> -> memref<50xi32, #tpu.memory_space<vmem>>
        %dma_start3A_377 = arith.constant 0 : i32
        %dma_start3A_378 = arith.constant 0 : i32
        %dma_start3A_379 = tpu.memref_slice %arg4[%dma_start3A_377, %dma_start3A_378] : memref<1000x128xf32, #tpu.memory_space<hbm>> -> memref<1000x128xf32, #tpu.memory_space<hbm>>
        tpu.enqueue_indirect_dma source(%dma_start3A_379 : memref<1000x128xf32, #tpu.memory_space<hbm>>) target(%arg9 : memref<50x128xf32, #tpu.memory_space<vmem>>) offsets(%dma_start3A_376 : memref<50xi32, #tpu.memory_space<vmem>>) semaphore(%arg12 : memref<!tpu.dma_semaphore, #tpu.memory_space<semaphore_mem>>)
      } else {
      }
      %add3A_300 = arith.addi %mul3A_2, %add3A_212 : i32
      %dma_start3A_301 = arith.constant 0 : i32
      %dma_start3A_302 = arith.constant 0 : i32
      %dma_start3A_303 = tpu.memref_slice %arg5[%add3A_300, %dma_start3A_301, %dma_start3A_302] : memref<1024x50x1000xf32, #tpu.memory_space<hbm>> -> memref<1x50x1000xf32, #tpu.memory_space<hbm>>
      %dma_start3A_304 = tpu.memref_squeeze %dma_start3A_303 : memref<1x50x1000xf32, #tpu.memory_space<hbm>> -> memref<50x1000xf32, #tpu.memory_space<hbm>>
      %dma_start3A_305 = arith.constant 0 : i32
      %dma_start3A_306 = arith.constant 0 : i32
      %dma_start3A_307 = tpu.memref_slice %arg5[%add3A_300, %dma_start3A_305, %dma_start3A_306] : memref<1024x50x1000xf32, #tpu.memory_space<hbm>> -> memref<1x50x1000xf32, #tpu.memory_space<hbm>>
      %dma_start3A_308 = tpu.memref_squeeze %dma_start3A_307 : memref<1x50x1000xf32, #tpu.memory_space<hbm>> -> memref<50x1000xf32, #tpu.memory_space<hbm>>
      tpu.enqueue_dma source(%arg8 : memref<50x1000xf32, #tpu.memory_space<vmem>>) target(%dma_start3A_308 : memref<50x1000xf32, #tpu.memory_space<hbm>>) target_semaphore(%arg14 : memref<!tpu.dma_semaphore, #tpu.memory_space<semaphore_mem>>)
    }
    %scan3A_101 = arith.constant 16 : i32
    %add3A_102 = arith.constant 31 : i32
    %add3A_103 = arith.addi %mul3A_2, %add3A_102 : i32
    %dma_wait3A = arith.constant 0 : i32
    %dma_wait3A_104 = arith.constant 0 : i32
    %dma_wait3A_105 = tpu.memref_slice %arg5[%add3A_103, %dma_wait3A, %dma_wait3A_104] : memref<1024x50x1000xf32, #tpu.memory_space<hbm>> -> memref<1x50x1000xf32, #tpu.memory_space<hbm>>
    %dma_wait3A_106 = tpu.memref_squeeze %dma_wait3A_105 : memref<1x50x1000xf32, #tpu.memory_space<hbm>> -> memref<50x1000xf32, #tpu.memory_space<hbm>>
    %dma_wait3A_107 = arith.constant 0 : i32
    %dma_wait3A_108 = arith.constant 0 : i32
    %dma_wait3A_109 = tpu.memref_slice %arg5[%add3A_103, %dma_wait3A_107, %dma_wait3A_108] : memref<1024x50x1000xf32, #tpu.memory_space<hbm>> -> memref<1x50x1000xf32, #tpu.memory_space<hbm>>
    %dma_wait3A_110 = tpu.memref_squeeze %dma_wait3A_109 : memref<1x50x1000xf32, #tpu.memory_space<hbm>> -> memref<50x1000xf32, #tpu.memory_space<hbm>>
    tpu.wait_dma2 semaphore(%arg14 : memref<!tpu.dma_semaphore, #tpu.memory_space<semaphore_mem>>) src(%arg8 : memref<50x1000xf32, #tpu.memory_space<vmem>>) dst(%dma_wait3A_110 : memref<50x1000xf32, #tpu.memory_space<hbm>>)
    return
  }
}

</mosaic_0001>

<sc_bundles>
// kernel: kernel.3.cloned.1.call-start
scs
__scs_entry_jumppad:
0x0: {  	(pc) =	sbr.rel $0x88, $3  }
0x1: {  	(tag) =	ssettag $0x0;
	lr =	simm.s32 $0x1  }
0x2: {  	[smem:$0x3F9F] =	sst lr;
	_ =	strace $0xD0000000  }
0x3: {  	_ = 	snop  }
0x4: {  	_ = 	snop  }
0x5: {  	_ = 	snop  }
0x6: {  	_ = 	snop  }
0x7: {  	_ = 	snop  }
__scs_overlays_trampoline_lowered:
0x8: {  	[smem:$0x3FAE] =	sst s0  }
0x9: {  	[smem:$0x3FAF] =	sst s1  }
0xa: {  	[smem:$0x3FB0] =	sst s2  }
0xb: {  	[smem:$0x3FB1] =	sst s3  }
0xc: {  	[smem:$0x3FB2] =	sst s4  }
0xd: {  	[smem:$0x3FB3] =	sst s5  }
0xe: {  	[smem:$0x3FB4] =	sst s6  }
0xf: {  	[smem:$0x3FB5] =	sst s7  }
0x10: {  	[smem:$0x3FB6] =	sst s8  }
0x11: {  	[smem:$0x3FB7] =	sst s9;
	s0 =	simm.s32 @!p0 $0x0  }
0x12: {  	s1 =	sld [smem:$0x3F9D];
	s0 =	simm.s32 @p0 $0x1  }
0x13: {  	[smem:$0x3FB8] =	sst s0;
	s0 =	simm.s32 @!p1 $0x0  }
0x14: {  	s2 =	sld [smem:$0x3F9C];
	s0 =	simm.s32 @p1 $0x1  }
0x15: {  	[smem:$0x3FB9] =	sst s0;
	s0 =	simm.s32 @!p2 $0x0  }
0x16: {  	s3 =	sld [smem:$0x3FDB];
	s0 =	simm.s32 @p2 $0x1  }
0x17: {  	s4 =	simm.s32 $0x1BF5;
	[smem:$0x3FBB] =	sst s0  }
0x18: {  	s0 =	sld [smem:$0x3F9E];
	_ =	swait.ge [sflag:s4], $0x0  }
0x19: {  	s7 =	sld [smem:$0x3F9F]  }
0x1a: {  	s8 =	sadd.s32 $0xFFFFE003, lr  }
0x1b: {  	s9 =	sadd.s32 $0xFFFFFEF7, lr;
	s5 =	simm.s32 $0xFFFFFFFF;
	p2 =	slt.u32 s8, $0xFFFFF086  }
0x1c: {  	p1 =	slt.u32 s9, $0xF7A;
	s5 =	simm.s32 @!p2 $0x0  }
0x1d: {  	s5 =	simm.s32 @p1 $0x1;
	p0 =	seq.s32 s7, s2  }
0x1e: {  	s7 =	smul.u32 @!p0 $0xF7A, s2;
	p2 =	seq.s32 @!p0 s5, $0x0  }
0x1f: {  	s9 =	smul.u32 $0xF7A, s1;
	s8 =	simm.s32 @!p0 $0x1BF5;
	p2 =	por !p2, p0  }
0x20: {  	[sflag:s8] =	ssyncset.s32 @!p0 $0xFFFFF086;
	s6 =	sadd.s32 @!p0 s3, s7;
	s7 =	simm.s32 @!p0 $0x108  }
0x21: {  	s3 =	sadd.s32 s3, s9;
	s6 =	sadd.s32 @!p0 $0x88, s6;
	s7 =	simm.s32 @p2 $0x1082  }
0x22: {  	[simem:s7], [sflag:s8] =	dma.local @!p0 [hbm:s6], $0xF7A  }
0x23: {  	s9 =	sor.u32 $0xD0000000, s2;
	s6 =	simm.s32 $0x108;
	_ =	swait.ge @!p0 [sflag:s8], $0x0  }
0x24: {  	s3 =	sadd.s32 $0x88, s3;
	s6 =	simm.s32 @!p1 $0x1082;
	[sflag:s4] =	ssyncset.s32 $0xFFFFF086  }
0x25: {  	[simem:s6], [sflag:s4] =	dma.local [hbm:s3], $0xF7A  }
0x26: {  	[smem:$0x3F9F] =	sst s1;
	(tag) =	ssettag s2;
	_ =	strace s9  }
0x27: {  	s1 =	sld [smem:$0x3FAF]  }
0x28: {  	s2 =	sld [smem:$0x3FB0]  }
0x29: {  	s4 =	sld [smem:$0x3FB2]  }
0x2a: {  	p0 =	seq.s32 s5, $0x0;
	s5 =	sld [smem:$0x3FB3]  }
0x2b: {  	s6 =	sld [smem:$0x3FB4]  }
0x2c: {  	s7 =	sld [smem:$0x3FB5]  }
0x2d: {  	s3 =	simm.s32 $0x108;
	s8 =	sld [smem:$0x3FB6]  }
0x2e: {  	s3 =	simm.s32 @!p0 $0x1082;
	s9 =	sld [smem:$0x3FB7]  }
0x2f: {  	lr =	sadd.s32 s0, s3;
	s0 =	sld [smem:$0x3FAE]  }
0x30: {  	s3 =	sld [smem:$0x3FB1]  }
0x31: {  	[smem:$0x3FBA] =	sst s10  }
0x32: {  	s10 =	sld [smem:$0x3FB8];
	_ =	sdelay $0x3  }
0x33: {  	p0 =	seq.s32 s10, $0x1;
	s10 =	sld [smem:$0x3FBA];
	_ =	sdelay $0x3  }
0x34: {  	[smem:$0x3FBA] =	sst s10  }
0x35: {  	s10 =	sld [smem:$0x3FB9];
	_ =	sdelay $0x3  }
0x36: {  	p1 =	seq.s32 s10, $0x1;
	s10 =	sld [smem:$0x3FBA];
	_ =	sdelay $0x3  }
0x37: {  	[smem:$0x3FBA] =	sst s10  }
0x38: {  	s10 =	sld [smem:$0x3FBB]  }
0x39: {  	_ = 	snop;
	(pc) =	sbr.ind lr, $3  }
0x3a: {  	_ = 	snop  }
0x3b: {  	_ = 	snop  }
0x3c: {  	p2 =	seq.s32 s10, $0x1;
	s10 =	sld [smem:$0x3FBA]  }
0x3d: {  	_ =	shalt  }
0x3e: {  	_ =	shalt  }
0x3f: {  	_ =	shalt  }
0x40: {  	_ =	shalt  }
0x41: {  	_ =	shalt  }
0x42: {  	_ =	shalt  }
0x43: {  	_ =	shalt  }
0x44: {  	_ =	shalt  }
0x45: {  	_ =	shalt  }
0x46: {  	_ =	shalt  }
0x47: {  	_ =	shalt  }
0x48: {  	_ =	shalt  }
0x49: {  	_ =	shalt  }
0x4a: {  	_ =	shalt  }
0x4b: {  	_ =	shalt  }
0x4c: {  	_ =	shalt  }
0x4d: {  	_ =	shalt  }
0x4e: {  	_ =	shalt  }
0x4f: {  	_ =	shalt  }
0x50: {  	_ =	shalt  }
0x51: {  	_ =	shalt  }
0x52: {  	_ =	shalt  }
0x53: {  	_ =	shalt  }
0x54: {  	_ =	shalt  }
0x55: {  	_ =	shalt  }
0x56: {  	_ =	shalt  }
0x57: {  	_ =	shalt  }
0x58: {  	_ =	shalt  }
0x59: {  	_ =	shalt  }
0x5a: {  	_ =	shalt  }
0x5b: {  	_ =	shalt  }
0x5c: {  	_ =	shalt  }
0x5d: {  	_ =	shalt  }
0x5e: {  	_ =	shalt  }
0x5f: {  	_ =	shalt  }
0x60: {  	_ =	shalt  }
0x61: {  	_ =	shalt  }
0x62: {  	_ =	shalt  }
0x63: {  	_ =	shalt  }
0x64: {  	_ =	shalt  }
0x65: {  	_ =	shalt  }
0x66: {  	_ =	shalt  }
0x67: {  	_ =	shalt  }
0x68: {  	_ =	shalt  }
0x69: {  	_ =	shalt  }
0x6a: {  	_ =	shalt  }
0x6b: {  	_ =	shalt  }
0x6c: {  	_ =	shalt  }
0x6d: {  	_ =	shalt  }
0x6e: {  	_ =	shalt  }
0x6f: {  	_ =	shalt  }
0x70: {  	_ =	shalt  }
0x71: {  	_ =	shalt  }
0x72: {  	_ =	shalt  }
0x73: {  	_ =	shalt  }
0x74: {  	_ =	shalt  }
0x75: {  	_ =	shalt  }
0x76: {  	_ =	shalt  }
0x77: {  	_ =	shalt  }
0x78: {  	_ =	shalt  }
0x79: {  	_ =	shalt  }
0x7a: {  	_ =	shalt  }
0x7b: {  	_ =	shalt  }
0x7c: {  	_ =	shalt  }
0x7d: {  	_ =	shalt  }
0x7e: {  	_ =	shalt  }
0x7f: {  	_ =	shalt  }
0x80: {  	_ =	shalt  }
0x81: {  	_ =	shalt  }
0x82: {  	_ =	shalt  }
0x83: {  	_ =	shalt  }
0x84: {  	_ =	shalt  }
0x85: {  	_ =	shalt  }
0x86: {  	_ =	shalt  }
0x87: {  	_ =	shalt  }
.Lfunc_end0:
.L_simem_size_0:
called_computation.1_lowered:
.L_overlay_start_0:
0x88: {  	s2 =	sld [smem:$0x3FD9]  }
0x89: {  	s3 =	sld [smem:$0x3FFE];
	_ =	sdelay $0x1  }
0x8a: {  	s1 =	srdreg.scid  }
0x8b: {  	s0 =	sand.u32 $0x1, s1  }
0x8c: {  	s17 =	sshll.u32 s0, $0xA;
	s2 =	sadd.s32 s3, s2  }
0x8d: {  	s2 =	sadd.s32 s2, s17  }
0x8e: {  	[smem:$0x3FC6] =	sst s2  }
0x8f: {  	_ = 	snop  }
0x90: {  	s2 =	sld [smem:$0x3FC8]  }
0x91: {  	s18 =	sld [smem:$0x3FD0];
	(tm) =	ssettm $0x1  }
0x92: {  	s4 =	sld [smem:$0x3FFB];
	_ =	sdelay $0x3  }
0x93: {  	_ =	strace s4  }
0x94: {  	s4 =	sld [smem:$0x3FFC];
	_ =	sdelay $0x3  }
0x95: {  	_ =	strace s4  }
0x96: {  	s4 =	sld [smem:$0x3FFD];
	_ =	sdelay $0x3  }
0x97: {  	_ =	strace s4  }
0x98: {  	_ =	strace $0x8FFFFFFF  }
0x99: {  	s19 =	sld [smem:$0x3FDB];
	_ =	sdelay $0x1  }
0x9a: {  	s5 =	simm.s32 $_scs_section_size  }
0x9b: {  	s6 =	simm.s32 $_size__tile_overlayer_lowered;
	s7 =	simm.s32 $_tile_overlayer_lowered  }
0x9c: {  	s22 =	simm.s32 $0x1BFF;
	s21 =	sshll.u32 s7, $0x1;
	s4 =	sadd.s32 s5, s19  }
0x9d: {  	s8 =	simm.s32 $0x0;
	s20 =	sshll.u32 s6, $0x1;
	s6 =	sadd.s32 s21, s4  }
0x9e: {  	[timem:s8], [sflag:s22] =	dma.local [hbm:s6], s20  }
0x9f: {  	_ =	swait.ge [sflag:s22], s20  }
0xa0: {  	s5 =	ssub.s32 $0x0, s20;
	[sflag:s22] =	ssyncset.done $0x0  }
0xa1: {  	[sflag:s22] =	ssyncadd.s32 s5;
	_ =	sdelay $0x1  }
0xa2: {  	s23 =	simm.s32 $0x1B8B  }
0xa3: {  	_ =	swait.ge [sflag:s23], $0x1  }
0xa4: {  	[sflag:s23] =	ssyncset.done $0x0  }
0xa5: {  	s25 =	simm.s32 $0x1B8E;
	s24 =	sld [smem:$0x3FFE];
	[sflag:s23] =	ssyncadd.s32 $0xFFFFFFFF  }
0xa6: {  	s26 =	simm.s32 $execute0_lowered;
	[smem:$0x3FD2] =	sst s25  }
0xa7: {  	s6 =	sshll.u32 s26, $0x1;
	_ =	strace $0x80000046;
	[dreg:$0x1] =	wrdreg $0xFFFFFFFF  }
0xa8: {  	s28 =	simm.s32 $_size_execute0_lowered;
	s4 =	sadd.s32 s4, s6;
	[dreg:$0x0] =	wrdreg $0x0  }
0xa9: {  	s6 =	sshll.u32 s28, $0x1;
	[dreg:$0x2] =	wrdreg s4  }
0xaa: {  	[dreg:$0x3] =	wrdreg s6  }
0xab: {  	[dreg:$0x4] =	wrdreg $0xC0  }
0xac: {  	_ =	task [dreg:s8], $0x5FFFF  }
0xad: {  	[dreg:$0x1] =	wrdreg $0xFFFFFFFF  }
0xae: {  	[dreg:$0x0] =	wrdreg $0x60  }
0xaf: {  	[dreg:$0x2] =	wrdreg s18  }
0xb0: {  	[dreg:$0x3] =	wrdreg s2  }
0xb1: {  	[dreg:$0x4] =	wrdreg s24  }
0xb2: {  	[dreg:$0x5] =	wrdreg $0x9  }
0xb3: {  	_ =	task.clear_ibuf [dreg:s8], $0x6FFFF;
	_ =	strace $0x90000046  }
0xb4: {  	s29 =	simm.s32 $0x9;
	_ =	strace $0x80000048  }
0xb5: {  	_ =	swait.ge [sflag:s29], $0x1  }
0xb6: {  	[sflag:s29] =	ssyncadd.s32 $0xFFFFFFFF  }
0xb7: {  	_ =	strace $0x90000048  }
0xb8: {  	_ =	sfence  }
0xb9: {  	s30 =	sld [smem:$0x0];
	_ =	sdelay $0x2  }
0xba: {  	s31 =	sshll.u32 s1, $0xD;
	s1 =	sshrl.u32 s1, $0x2  }
0xbb: {  	s3 =	sand.u32 $0x4000, s31;
	s1 =	sadd.s32 s1, s30  }
0xbc: {  	s0 =	sor.u32 s3, s0;
	s1 =	sshll.u32 s1, $0x11  }
0xbd: {  	s0 =	sor.u32 s1, s0  }
0xbe: {  	s0 =	sadd.s32 $0x8F2B, s0  }
0xbf: {  	[sflag:s0] =	ssyncadd.remote.s32 $0x1  }
0xc0: {  	_ =	sfence.sel $0xFFFF  }
0xc1: {  	[dreg:$0x0] =	wrdreg $0xFFFFFFFF;
	(pc) =	sbr.abs _section_cstart, $3  }
0xc2: {  	[dreg:$0x1] =	wrdreg $0xFFFFFFFF  }
0xc3: {  	_ =	task.clear_ibuf [dreg:s8], $0x2FFFF;
	_ =	strace $0x9FFFFFFF  }
0xc4: {  	(tm) =	ssettm $0x7FFFFFFF  }
0xc5: {  	_ =	shalt  }
tec
execute0_lowered:
.L_overlay_start_1:
0x0: {  	(tag) =	ssettag $0x1  }
0x1: {  	s0 =	rddreg [dreg:$0x0]  }
0x2: {  	s1 =	rddreg [dreg:$0x1]  }
0x3: {  	s2 =	rddreg [dreg:$0x2];
	s3 =	simm.s32 $0x0;
	s4 =	srdreg.scid  }
0x4: {  	s6 =	stileid.u32;
	s16 =	simm.s32 $0x1000;
	s28 =	simm.s32 $0x32  }
0x5: {  	s29 =	simm.s32 $0x1D000;
	s30 =	simm.s32 $0x3;
	s31 =	simm.s32 $0x1  }
0x6: {  	s15 =	simm.s32 $0x18800;
	s17 =	simm.s32 $0x1A800;
	s18 =	simm.s32 $0x1C800  }
0x7: {  	s19 =	simm.s32 $0x2;
	s20 =	simm.s32 $0x4;
	s14 =	simm.s32 $0x0  }
0x8: {  	[smem:$0x7FF] =	sst s3;
	s5 =	sand.u32 $0x1, s4;
	s6 =	sshll.u32 s6, $0x1  }
0x9: {  	s4 =	sadd.s32 $0x800, s2;
	s9 =	sadd.s32 $0x100, s1;
	s10 =	sadd.s32 $0x180, s1  }
0xa: {  	s11 =	sadd.s32 $0x200, s1;
	s12 =	sadd.s32 $0x280, s1;
	s13 =	sadd.s32 $0x300, s1  }
.Ltmp0:
0xb: {  	s7 =	ssub.s32 $0x2, s5;
	s6 =	sor.u32 s5, s6;
	(pc) =	sbr.rel .LBB2_1-.Ltmp0, $4  }
0xc: {  	_ =	strace $0x80000047;
	s25 =	sshrl.u32 s7, $0x1;
	s8 =	sshll.u32 s6, $0x9  }
0xd: {  	v2 =	vlaneseq.u32;
	vm0 =	vmmov $0xff;
	vm1 =	vmmov $0x3;
	s5 =	sadd.s32 $0x4800, s2;
	s2 =	ssub.s32 s7, s25;
	s0 =	sadd.s32 s0, s8  }
0xe: {  	v0 =	vand.u32 $0x7, v2;
	v1 =	vshrl.u32 v2, $0x3;
	v2 =	vor.u32 $0x8, v2;
	s6 =	sshll.u32 s6, $0x5;
	[dreg:$0x4] =	wrdreg s0;
	s26 =	smax.u32 s2, $0x1  }
0xf: {  	v1 =	vmul.u32 $0x8, v1;
	v3 =	vor.u32 $0x78, v0;
	v4 =	vor.u32 $0x1C60, v0;
	s8 =	sadd.s32 $0x80, s1;
	s0 =	simm.s32 $0xF000;
	[dreg:$0x5] =	wrdreg s26  }
.LBB2_9:
0x10: {  	s7 =	simm.s32 $0x5  }
0x11: {  	_ =	swait.ge [sflag:s7], $0xE000  }
0x12: {  	s14 =	rddreg [dreg:$0x6]  }
0x13: {  	s2 =	rddreg [dreg:$0x5];
	s14 =	sadd.s32 $0x1, s14  }
0x14: {  	p0 =	sne.s32 s14, s2  }
.Ltmp1:
0x15: {  	_ = 	snop;
	(pc) =	sbr.rel @!p0 .LBB2_10-.Ltmp1, $3  }
0x16: {  	_ =	sdelay $0x1  }
0x17: {  	[sflag:s7] =	ssyncset.done $0x0  }
0x18: {  	[sflag:s7] =	ssyncadd.s32 $0xFFFF2000  }
.LBB2_1:
0x19: {  	[dreg:$0x6] =	wrdreg s14  }
0x1a: {  	s2 =	rddreg [dreg:$0x4];
	s26 =	simm.s32 $0x6  }
0x1b: {  	[tilespmem:s3], [sflag:$0x6] =	stream.linear.gather [hbm4b:s2+s3], $0x1000, $0x38;
	[tilespmem:$0x1EC00] =	vst v63  }
0x1c: {  	_ =	swait.ge [sflag:s26], $0x1000  }
0x1d: {  	[sflag:s26] =	ssyncset.done $0x0  }
0x1e: {  	[sflag:s26] =	ssyncadd.s32 $0xFFFFF000  }
0x1f: {  	v5 =	vld [tilespmem:$0x0];
	_ =	sdelay $0x4  }
0x20: {  	v6 =	vshll.u32 v5, $0x3  }
0x21: {  	v5 =	vand.u32 $0x7, v5;
	v6 =	vand.u32 $0xFFFFFFC0, v6  }
0x22: {  	v5 =	vor.u32 v5, v6  }
0x23: {  	v6 =	vperm.xlane v5, v0;
	_ =	sdelay $0x1  }
0x24: {  	v5 =	vperm.xlane v5, v2;
	v6 =	vadd.s32 v1, v6;
	_ =	sdelay $0x1  }
0x25: {  	v5 =	vadd.s32 v1, v5;
	_ =	sdelay $0x2  }
0x26: {  	[tilespmem:s16], [sflag:$0x1] =	stream.indirect_vreg.gather [hbm4b:s1+s3], $0x80, v6, vm0, $0xb8;
	[tilespmem:$0x1EC00] =	vst v63  }
0x27: {  	s7 =	simm.s32 $0x3000  }
0x28: {  	[tilespmem:s7], [sflag:$0x1] =	stream.indirect_vreg.gather [hbm4b:s1+s3], $0x80, v5, vm0, $0xb8;
	[tilespmem:$0x1EC00] =	vst v63  }
0x29: {  	v5 =	vld [tilespmem:$0x10];
	_ =	sdelay $0x4  }
0x2a: {  	v6 =	vshll.u32 v5, $0x3  }
0x2b: {  	v5 =	vand.u32 $0x7, v5;
	v6 =	vand.u32 $0xFFFFFFC0, v6  }
0x2c: {  	v5 =	vor.u32 v5, v6  }
0x2d: {  	v6 =	vperm.xlane v5, v0;
	_ =	sdelay $0x1  }
0x2e: {  	v5 =	vperm.xlane v5, v2;
	v6 =	vadd.s32 v1, v6;
	_ =	sdelay $0x1  }
0x2f: {  	v5 =	vadd.s32 v1, v5;
	_ =	sdelay $0x1  }
0x30: {  	s14 =	simm.s32 $0x5000  }
0x31: {  	[tilespmem:s14], [sflag:$0x1] =	stream.indirect_vreg.gather [hbm4b:s1+s3], $0x80, v6, vm0, $0xb8;
	[tilespmem:$0x1EC00] =	vst v63  }
0x32: {  	s21 =	simm.s32 $0x7000  }
0x33: {  	[tilespmem:s21], [sflag:$0x1] =	stream.indirect_vreg.gather [hbm4b:s1+s3], $0x80, v5, vm0, $0xb8;
	[tilespmem:$0x1EC00] =	vst v63  }
0x34: {  	v5 =	vld [tilespmem:$0x20];
	_ =	sdelay $0x4  }
0x35: {  	v6 =	vshll.u32 v5, $0x3  }
0x36: {  	v5 =	vand.u32 $0x7, v5;
	v6 =	vand.u32 $0xFFFFFFC0, v6  }
0x37: {  	v5 =	vor.u32 v5, v6  }
0x38: {  	v6 =	vperm.xlane v5, v0;
	_ =	sdelay $0x1  }
0x39: {  	v5 =	vperm.xlane v5, v2;
	v6 =	vadd.s32 v1, v6;
	_ =	sdelay $0x1  }
0x3a: {  	v5 =	vadd.s32 v1, v5;
	_ =	sdelay $0x1  }
0x3b: {  	s22 =	simm.s32 $0x9000  }
0x3c: {  	[tilespmem:s22], [sflag:$0x1] =	stream.indirect_vreg.gather [hbm4b:s1+s3], $0x80, v6, vm0, $0xb8;
	[tilespmem:$0x1EC00] =	vst v63  }
0x3d: {  	s23 =	simm.s32 $0xB000  }
0x3e: {  	[tilespmem:s23], [sflag:$0x1] =	stream.indirect_vreg.gather [hbm4b:s1+s3], $0x80, v5, vm0, $0xb8;
	[tilespmem:$0x1EC00] =	vst v63  }
0x3f: {  	v5 =	vld.msk [tilespmem:$0x30], $0x3;
	_ =	sdelay $0x4  }
0x40: {  	v6 =	vshll.u32 v5, $0x3  }
0x41: {  	v5 =	vand.u32 $0x7, v5;
	v6 =	vand.u32 $0xFFFFFFC0, v6  }
0x42: {  	v5 =	vor.u32 v5, v6  }
0x43: {  	v5 =	vperm.xlane v5, v0;
	_ =	sdelay $0x1  }
0x44: {  	v5 =	vadd.s32 v1, v5;
	_ =	sdelay $0x3  }
0x45: {  	s24 =	simm.s32 $0xD000  }
0x46: {  	[tilespmem:s24], [sflag:$0x1] =	stream.indirect_vreg.gather [hbm4b:s1+s3], $0x80, v5, vm1, $0xb8;
	[tilespmem:$0x1EC00] =	vst v63  }
0x47: {  	v5 =	vld [tilespmem:$0x0];
	_ =	sdelay $0x4  }
0x48: {  	v6 =	vshll.u32 v5, $0x3  }
0x49: {  	v5 =	vand.u32 $0x7, v5;
	v6 =	vand.u32 $0xFFFFFFC0, v6  }
0x4a: {  	v5 =	vor.u32 v5, v6  }
0x4b: {  	v6 =	vperm.xlane v5, v0;
	_ =	sdelay $0x1  }
0x4c: {  	v5 =	vperm.xlane v5, v2;
	v6 =	vadd.s32 v1, v6;
	_ =	sdelay $0x1  }
0x4d: {  	v5 =	vadd.s32 v1, v5;
	_ =	sdelay $0x1  }
0x4e: {  	s25 =	simm.s32 $0x1400  }
0x4f: {  	[tilespmem:s25], [sflag:$0x1] =	stream.indirect_vreg.gather [hbm4b:s8+s3], $0x80, v6, vm0, $0xb8;
	[tilespmem:$0x1EC00] =	vst v63  }
0x50: {  	s26 =	simm.s32 $0x3400  }
0x51: {  	[tilespmem:s26], [sflag:$0x1] =	stream.indirect_vreg.gather [hbm4b:s8+s3], $0x80, v5, vm0, $0xb8;
	[tilespmem:$0x1EC00] =	vst v63  }
0x52: {  	v5 =	vld [tilespmem:$0x10];
	_ =	sdelay $0x4  }
0x53: {  	v6 =	vshll.u32 v5, $0x3  }
0x54: {  	v5 =	vand.u32 $0x7, v5;
	v6 =	vand.u32 $0xFFFFFFC0, v6  }
0x55: {  	v5 =	vor.u32 v5, v6  }
0x56: {  	v6 =	vperm.xlane v5, v0;
	_ =	sdelay $0x1  }
0x57: {  	v5 =	vperm.xlane v5, v2;
	v6 =	vadd.s32 v1, v6;
	_ =	sdelay $0x1  }
0x58: {  	v5 =	vadd.s32 v1, v5;
	_ =	sdelay $0x1  }
0x59: {  	s7 =	simm.s32 $0x5400  }
0x5a: {  	[tilespmem:s7], [sflag:$0x1] =	stream.indirect_vreg.gather [hbm4b:s8+s3], $0x80, v6, vm0, $0xb8;
	[tilespmem:$0x1EC00] =	vst v63  }
0x5b: {  	s14 =	simm.s32 $0x7400  }
0x5c: {  	[tilespmem:s14], [sflag:$0x1] =	stream.indirect_vreg.gather [hbm4b:s8+s3], $0x80, v5, vm0, $0xb8;
	[tilespmem:$0x1EC00] =	vst v63  }
0x5d: {  	v5 =	vld [tilespmem:$0x20];
	_ =	sdelay $0x4  }
0x5e: {  	v6 =	vshll.u32 v5, $0x3  }
0x5f: {  	v5 =	vand.u32 $0x7, v5;
	v6 =	vand.u32 $0xFFFFFFC0, v6  }
0x60: {  	v5 =	vor.u32 v5, v6  }
0x61: {  	v6 =	vperm.xlane v5, v0;
	_ =	sdelay $0x1  }
0x62: {  	v5 =	vperm.xlane v5, v2;
	v6 =	vadd.s32 v1, v6;
	_ =	sdelay $0x1  }
0x63: {  	v5 =	vadd.s32 v1, v5;
	_ =	sdelay $0x1  }
0x64: {  	s21 =	simm.s32 $0x9400  }
0x65: {  	[tilespmem:s21], [sflag:$0x1] =	stream.indirect_vreg.gather [hbm4b:s8+s3], $0x80, v6, vm0, $0xb8;
	[tilespmem:$0x1EC00] =	vst v63  }
0x66: {  	s22 =	simm.s32 $0xB400  }
0x67: {  	[tilespmem:s22], [sflag:$0x1] =	stream.indirect_vreg.gather [hbm4b:s8+s3], $0x80, v5, vm0, $0xb8;
	[tilespmem:$0x1EC00] =	vst v63  }
0x68: {  	v5 =	vld.msk [tilespmem:$0x30], $0x3;
	_ =	sdelay $0x4  }
0x69: {  	v6 =	vshll.u32 v5, $0x3  }
0x6a: {  	v5 =	vand.u32 $0x7, v5;
	v6 =	vand.u32 $0xFFFFFFC0, v6  }
0x6b: {  	v5 =	vor.u32 v5, v6  }
0x6c: {  	v5 =	vperm.xlane v5, v0;
	_ =	sdelay $0x1  }
0x6d: {  	v5 =	vadd.s32 v1, v5;
	_ =	sdelay $0x3  }
0x6e: {  	s23 =	simm.s32 $0xD400  }
0x6f: {  	[tilespmem:s23], [sflag:$0x1] =	stream.indirect_vreg.gather [hbm4b:s8+s3], $0x80, v5, vm1, $0xb8;
	[tilespmem:$0x1EC00] =	vst v63  }
0x70: {  	v5 =	vld [tilespmem:$0x0];
	_ =	sdelay $0x4  }
0x71: {  	v6 =	vshll.u32 v5, $0x3  }
0x72: {  	v5 =	vand.u32 $0x7, v5;
	v6 =	vand.u32 $0xFFFFFFC0, v6  }
0x73: {  	v5 =	vor.u32 v5, v6  }
0x74: {  	v6 =	vperm.xlane v5, v0;
	_ =	sdelay $0x1  }
0x75: {  	v5 =	vperm.xlane v5, v2;
	v6 =	vadd.s32 v1, v6;
	_ =	sdelay $0x1  }
0x76: {  	v5 =	vadd.s32 v1, v5;
	_ =	sdelay $0x1  }
0x77: {  	s24 =	simm.s32 $0x1800  }
0x78: {  	[tilespmem:s24], [sflag:$0x1] =	stream.indirect_vreg.gather [hbm4b:s9+s3], $0x80, v6, vm0, $0xb8;
	[tilespmem:$0x1EC00] =	vst v63  }
0x79: {  	s25 =	simm.s32 $0x3800  }
0x7a: {  	[tilespmem:s25], [sflag:$0x1] =	stream.indirect_vreg.gather [hbm4b:s9+s3], $0x80, v5, vm0, $0xb8;
	[tilespmem:$0x1EC00] =	vst v63  }
0x7b: {  	v5 =	vld [tilespmem:$0x10];
	_ =	sdelay $0x4  }
0x7c: {  	v6 =	vshll.u32 v5, $0x3  }
0x7d: {  	v5 =	vand.u32 $0x7, v5;
	v6 =	vand.u32 $0xFFFFFFC0, v6  }
0x7e: {  	v5 =	vor.u32 v5, v6  }
0x7f: {  	v6 =	vperm.xlane v5, v0;
	_ =	sdelay $0x1  }
0x80: {  	v5 =	vperm.xlane v5, v2;
	v6 =	vadd.s32 v1, v6;
	_ =	sdelay $0x1  }
0x81: {  	v5 =	vadd.s32 v1, v5;
	_ =	sdelay $0x1  }
0x82: {  	s26 =	simm.s32 $0x5800  }
0x83: {  	[tilespmem:s26], [sflag:$0x1] =	stream.indirect_vreg.gather [hbm4b:s9+s3], $0x80, v6, vm0, $0xb8;
	[tilespmem:$0x1EC00] =	vst v63  }
0x84: {  	s7 =	simm.s32 $0x7800  }
0x85: {  	[tilespmem:s7], [sflag:$0x1] =	stream.indirect_vreg.gather [hbm4b:s9+s3], $0x80, v5, vm0, $0xb8;
	[tilespmem:$0x1EC00] =	vst v63  }
0x86: {  	v5 =	vld [tilespmem:$0x20];
	_ =	sdelay $0x4  }
0x87: {  	v6 =	vshll.u32 v5, $0x3  }
0x88: {  	v5 =	vand.u32 $0x7, v5;
	v6 =	vand.u32 $0xFFFFFFC0, v6  }
0x89: {  	v5 =	vor.u32 v5, v6  }
0x8a: {  	v6 =	vperm.xlane v5, v0;
	_ =	sdelay $0x1  }
0x8b: {  	v5 =	vperm.xlane v5, v2;
	v6 =	vadd.s32 v1, v6;
	_ =	sdelay $0x1  }
0x8c: {  	v5 =	vadd.s32 v1, v5;
	_ =	sdelay $0x1  }
0x8d: {  	s14 =	simm.s32 $0x9800  }
0x8e: {  	[tilespmem:s14], [sflag:$0x1] =	stream.indirect_vreg.gather [hbm4b:s9+s3], $0x80, v6, vm0, $0xb8;
	[tilespmem:$0x1EC00] =	vst v63  }
0x8f: {  	s21 =	simm.s32 $0xB800  }
0x90: {  	[tilespmem:s21], [sflag:$0x1] =	stream.indirect_vreg.gather [hbm4b:s9+s3], $0x80, v5, vm0, $0xb8;
	[tilespmem:$0x1EC00] =	vst v63  }
0x91: {  	v5 =	vld.msk [tilespmem:$0x30], $0x3;
	_ =	sdelay $0x4  }
0x92: {  	v6 =	vshll.u32 v5, $0x3  }
0x93: {  	v5 =	vand.u32 $0x7, v5;
	v6 =	vand.u32 $0xFFFFFFC0, v6  }
0x94: {  	v5 =	vor.u32 v5, v6  }
0x95: {  	v5 =	vperm.xlane v5, v0;
	_ =	sdelay $0x1  }
0x96: {  	v5 =	vadd.s32 v1, v5;
	_ =	sdelay $0x3  }
0x97: {  	s22 =	simm.s32 $0xD800  }
0x98: {  	[tilespmem:s22], [sflag:$0x1] =	stream.indirect_vreg.gather [hbm4b:s9+s3], $0x80, v5, vm1, $0xb8;
	[tilespmem:$0x1EC00] =	vst v63  }
0x99: {  	v5 =	vld [tilespmem:$0x0];
	_ =	sdelay $0x4  }
0x9a: {  	v6 =	vshll.u32 v5, $0x3  }
0x9b: {  	v5 =	vand.u32 $0x7, v5;
	v6 =	vand.u32 $0xFFFFFFC0, v6  }
0x9c: {  	v5 =	vor.u32 v5, v6  }
0x9d: {  	v6 =	vperm.xlane v5, v0;
	_ =	sdelay $0x1  }
0x9e: {  	v5 =	vperm.xlane v5, v2;
	v6 =	vadd.s32 v1, v6;
	_ =	sdelay $0x1  }
0x9f: {  	v5 =	vadd.s32 v1, v5;
	_ =	sdelay $0x1  }
0xa0: {  	s23 =	simm.s32 $0x1C00  }
0xa1: {  	[tilespmem:s23], [sflag:$0x1] =	stream.indirect_vreg.gather [hbm4b:s10+s3], $0x80, v6, vm0, $0xb8;
	[tilespmem:$0x1EC00] =	vst v63  }
0xa2: {  	s24 =	simm.s32 $0x3C00  }
0xa3: {  	[tilespmem:s24], [sflag:$0x1] =	stream.indirect_vreg.gather [hbm4b:s10+s3], $0x80, v5, vm0, $0xb8;
	[tilespmem:$0x1EC00] =	vst v63  }
0xa4: {  	v5 =	vld [tilespmem:$0x10];
	_ =	sdelay $0x4  }
0xa5: {  	v6 =	vshll.u32 v5, $0x3  }
0xa6: {  	v5 =	vand.u32 $0x7, v5;
	v6 =	vand.u32 $0xFFFFFFC0, v6  }
0xa7: {  	v5 =	vor.u32 v5, v6  }
0xa8: {  	v6 =	vperm.xlane v5, v0;
	_ =	sdelay $0x1  }
0xa9: {  	v5 =	vperm.xlane v5, v2;
	v6 =	vadd.s32 v1, v6;
	_ =	sdelay $0x1  }
0xaa: {  	v5 =	vadd.s32 v1, v5;
	_ =	sdelay $0x1  }
0xab: {  	s25 =	simm.s32 $0x5C00  }
0xac: {  	[tilespmem:s25], [sflag:$0x1] =	stream.indirect_vreg.gather [hbm4b:s10+s3], $0x80, v6, vm0, $0xb8;
	[tilespmem:$0x1EC00] =	vst v63  }
0xad: {  	s26 =	simm.s32 $0x7C00  }
0xae: {  	[tilespmem:s26], [sflag:$0x1] =	stream.indirect_vreg.gather [hbm4b:s10+s3], $0x80, v5, vm0, $0xb8;
	[tilespmem:$0x1EC00] =	vst v63  }
0xaf: {  	v5 =	vld [tilespmem:$0x20];
	_ =	sdelay $0x4  }
0xb0: {  	v6 =	vshll.u32 v5, $0x3  }
0xb1: {  	v5 =	vand.u32 $0x7, v5;
	v6 =	vand.u32 $0xFFFFFFC0, v6  }
0xb2: {  	v5 =	vor.u32 v5, v6  }
0xb3: {  	v6 =	vperm.xlane v5, v0;
	_ =	sdelay $0x1  }
0xb4: {  	v5 =	vperm.xlane v5, v2;
	v6 =	vadd.s32 v1, v6;
	_ =	sdelay $0x1  }
0xb5: {  	v5 =	vadd.s32 v1, v5;
	_ =	sdelay $0x1  }
0xb6: {  	s7 =	simm.s32 $0x9C00  }
0xb7: {  	[tilespmem:s7], [sflag:$0x1] =	stream.indirect_vreg.gather [hbm4b:s10+s3], $0x80, v6, vm0, $0xb8;
	[tilespmem:$0x1EC00] =	vst v63  }
0xb8: {  	s14 =	simm.s32 $0xBC00  }
0xb9: {  	[tilespmem:s14], [sflag:$0x1] =	stream.indirect_vreg.gather [hbm4b:s10+s3], $0x80, v5, vm0, $0xb8;
	[tilespmem:$0x1EC00] =	vst v63  }
0xba: {  	v5 =	vld.msk [tilespmem:$0x30], $0x3;
	_ =	sdelay $0x4  }
0xbb: {  	v6 =	vshll.u32 v5, $0x3  }
0xbc: {  	v5 =	vand.u32 $0x7, v5;
	v6 =	vand.u32 $0xFFFFFFC0, v6  }
0xbd: {  	v5 =	vor.u32 v5, v6  }
0xbe: {  	v5 =	vperm.xlane v5, v0;
	_ =	sdelay $0x1  }
0xbf: {  	v5 =	vadd.s32 v1, v5;
	_ =	sdelay $0x3  }
0xc0: {  	s21 =	simm.s32 $0xDC00  }
0xc1: {  	[tilespmem:s21], [sflag:$0x1] =	stream.indirect_vreg.gather [hbm4b:s10+s3], $0x80, v5, vm1, $0xb8;
	[tilespmem:$0x1EC00] =	vst v63  }
0xc2: {  	v5 =	vld [tilespmem:$0x0];
	_ =	sdelay $0x4  }
0xc3: {  	v6 =	vshll.u32 v5, $0x3  }
0xc4: {  	v5 =	vand.u32 $0x7, v5;
	v6 =	vand.u32 $0xFFFFFFC0, v6  }
0xc5: {  	v5 =	vor.u32 v5, v6  }
0xc6: {  	v6 =	vperm.xlane v5, v0;
	_ =	sdelay $0x1  }
0xc7: {  	v5 =	vperm.xlane v5, v2;
	v6 =	vadd.s32 v1, v6;
	_ =	sdelay $0x1  }
0xc8: {  	v5 =	vadd.s32 v1, v5;
	_ =	sdelay $0x1  }
0xc9: {  	s22 =	simm.s32 $0x2000  }
0xca: {  	[tilespmem:s22], [sflag:$0x1] =	stream.indirect_vreg.gather [hbm4b:s11+s3], $0x80, v6, vm0, $0xb8;
	[tilespmem:$0x1EC00] =	vst v63  }
0xcb: {  	s23 =	simm.s32 $0x4000  }
0xcc: {  	[tilespmem:s23], [sflag:$0x1] =	stream.indirect_vreg.gather [hbm4b:s11+s3], $0x80, v5, vm0, $0xb8;
	[tilespmem:$0x1EC00] =	vst v63  }
0xcd: {  	v5 =	vld [tilespmem:$0x10];
	_ =	sdelay $0x4  }
0xce: {  	v6 =	vshll.u32 v5, $0x3  }
0xcf: {  	v5 =	vand.u32 $0x7, v5;
	v6 =	vand.u32 $0xFFFFFFC0, v6  }
0xd0: {  	v5 =	vor.u32 v5, v6  }
0xd1: {  	v6 =	vperm.xlane v5, v0;
	_ =	sdelay $0x1  }
0xd2: {  	v5 =	vperm.xlane v5, v2;
	v6 =	vadd.s32 v1, v6;
	_ =	sdelay $0x1  }
0xd3: {  	v5 =	vadd.s32 v1, v5;
	_ =	sdelay $0x1  }
0xd4: {  	s24 =	simm.s32 $0x6000  }
0xd5: {  	[tilespmem:s24], [sflag:$0x1] =	stream.indirect_vreg.gather [hbm4b:s11+s3], $0x80, v6, vm0, $0xb8;
	[tilespmem:$0x1EC00] =	vst v63  }
0xd6: {  	s25 =	simm.s32 $0x8000  }
0xd7: {  	[tilespmem:s25], [sflag:$0x1] =	stream.indirect_vreg.gather [hbm4b:s11+s3], $0x80, v5, vm0, $0xb8;
	[tilespmem:$0x1EC00] =	vst v63  }
0xd8: {  	v5 =	vld [tilespmem:$0x20];
	_ =	sdelay $0x4  }
0xd9: {  	v6 =	vshll.u32 v5, $0x3  }
0xda: {  	v5 =	vand.u32 $0x7, v5;
	v6 =	vand.u32 $0xFFFFFFC0, v6  }
0xdb: {  	v5 =	vor.u32 v5, v6  }
0xdc: {  	v6 =	vperm.xlane v5, v0;
	_ =	sdelay $0x1  }
0xdd: {  	v5 =	vperm.xlane v5, v2;
	v6 =	vadd.s32 v1, v6;
	_ =	sdelay $0x1  }
0xde: {  	v5 =	vadd.s32 v1, v5;
	_ =	sdelay $0x1  }
0xdf: {  	s26 =	simm.s32 $0xA000  }
0xe0: {  	[tilespmem:s26], [sflag:$0x1] =	stream.indirect_vreg.gather [hbm4b:s11+s3], $0x80, v6, vm0, $0xb8;
	[tilespmem:$0x1EC00] =	vst v63  }
0xe1: {  	s7 =	simm.s32 $0xC000  }
0xe2: {  	[tilespmem:s7], [sflag:$0x1] =	stream.indirect_vreg.gather [hbm4b:s11+s3], $0x80, v5, vm0, $0xb8;
	[tilespmem:$0x1EC00] =	vst v63  }
0xe3: {  	v5 =	vld.msk [tilespmem:$0x30], $0x3;
	_ =	sdelay $0x4  }
0xe4: {  	v6 =	vshll.u32 v5, $0x3  }
0xe5: {  	v5 =	vand.u32 $0x7, v5;
	v6 =	vand.u32 $0xFFFFFFC0, v6  }
0xe6: {  	v5 =	vor.u32 v5, v6  }
0xe7: {  	v5 =	vperm.xlane v5, v0;
	_ =	sdelay $0x1  }
0xe8: {  	v5 =	vadd.s32 v1, v5;
	_ =	sdelay $0x3  }
0xe9: {  	s14 =	simm.s32 $0xE000  }
0xea: {  	[tilespmem:s14], [sflag:$0x1] =	stream.indirect_vreg.gather [hbm4b:s11+s3], $0x80, v5, vm1, $0xb8;
	[tilespmem:$0x1EC00] =	vst v63  }
0xeb: {  	v5 =	vld [tilespmem:$0x0];
	_ =	sdelay $0x4  }
0xec: {  	v6 =	vshll.u32 v5, $0x3  }
0xed: {  	v5 =	vand.u32 $0x7, v5;
	v6 =	vand.u32 $0xFFFFFFC0, v6  }
0xee: {  	v5 =	vor.u32 v5, v6  }
0xef: {  	v6 =	vperm.xlane v5, v0;
	_ =	sdelay $0x1  }
0xf0: {  	v5 =	vperm.xlane v5, v2;
	v6 =	vadd.s32 v1, v6;
	_ =	sdelay $0x1  }
0xf1: {  	v5 =	vadd.s32 v1, v5;
	_ =	sdelay $0x1  }
0xf2: {  	s21 =	simm.s32 $0x2400  }
0xf3: {  	[tilespmem:s21], [sflag:$0x1] =	stream.indirect_vreg.gather [hbm4b:s12+s3], $0x80, v6, vm0, $0xb8;
	[tilespmem:$0x1EC00] =	vst v63  }
0xf4: {  	s22 =	simm.s32 $0x4400  }
0xf5: {  	[tilespmem:s22], [sflag:$0x1] =	stream.indirect_vreg.gather [hbm4b:s12+s3], $0x80, v5, vm0, $0xb8;
	[tilespmem:$0x1EC00] =	vst v63  }
0xf6: {  	v5 =	vld [tilespmem:$0x10];
	_ =	sdelay $0x4  }
0xf7: {  	v6 =	vshll.u32 v5, $0x3  }
0xf8: {  	v5 =	vand.u32 $0x7, v5;
	v6 =	vand.u32 $0xFFFFFFC0, v6  }
0xf9: {  	v5 =	vor.u32 v5, v6  }
0xfa: {  	v6 =	vperm.xlane v5, v0;
	_ =	sdelay $0x1  }
0xfb: {  	v5 =	vperm.xlane v5, v2;
	v6 =	vadd.s32 v1, v6;
	_ =	sdelay $0x1  }
0xfc: {  	v5 =	vadd.s32 v1, v5;
	_ =	sdelay $0x1  }
0xfd: {  	s23 =	simm.s32 $0x6400  }
0xfe: {  	[tilespmem:s23], [sflag:$0x1] =	stream.indirect_vreg.gather [hbm4b:s12+s3], $0x80, v6, vm0, $0xb8;
	[tilespmem:$0x1EC00] =	vst v63  }
0xff: {  	s24 =	simm.s32 $0x8400  }
0x100: {  	[tilespmem:s24], [sflag:$0x1] =	stream.indirect_vreg.gather [hbm4b:s12+s3], $0x80, v5, vm0, $0xb8;
	[tilespmem:$0x1EC00] =	vst v63  }
0x101: {  	v5 =	vld [tilespmem:$0x20];
	_ =	sdelay $0x4  }
0x102: {  	v6 =	vshll.u32 v5, $0x3  }
0x103: {  	v5 =	vand.u32 $0x7, v5;
	v6 =	vand.u32 $0xFFFFFFC0, v6  }
0x104: {  	v5 =	vor.u32 v5, v6  }
0x105: {  	v6 =	vperm.xlane v5, v0;
	_ =	sdelay $0x1  }
0x106: {  	v5 =	vperm.xlane v5, v2;
	v6 =	vadd.s32 v1, v6;
	_ =	sdelay $0x1  }
0x107: {  	v5 =	vadd.s32 v1, v5;
	_ =	sdelay $0x1  }
0x108: {  	s25 =	simm.s32 $0xA400  }
0x109: {  	[tilespmem:s25], [sflag:$0x1] =	stream.indirect_vreg.gather [hbm4b:s12+s3], $0x80, v6, vm0, $0xb8;
	[tilespmem:$0x1EC00] =	vst v63  }
0x10a: {  	s26 =	simm.s32 $0xC400  }
0x10b: {  	[tilespmem:s26], [sflag:$0x1] =	stream.indirect_vreg.gather [hbm4b:s12+s3], $0x80, v5, vm0, $0xb8;
	[tilespmem:$0x1EC00] =	vst v63  }
0x10c: {  	v5 =	vld.msk [tilespmem:$0x30], $0x3;
	_ =	sdelay $0x4  }
0x10d: {  	v6 =	vshll.u32 v5, $0x3  }
0x10e: {  	v5 =	vand.u32 $0x7, v5;
	v6 =	vand.u32 $0xFFFFFFC0, v6  }
0x10f: {  	v5 =	vor.u32 v5, v6  }
0x110: {  	v5 =	vperm.xlane v5, v0;
	_ =	sdelay $0x1  }
0x111: {  	v5 =	vadd.s32 v1, v5;
	_ =	sdelay $0x3  }
0x112: {  	s7 =	simm.s32 $0xE400  }
0x113: {  	[tilespmem:s7], [sflag:$0x1] =	stream.indirect_vreg.gather [hbm4b:s12+s3], $0x80, v5, vm1, $0xb8;
	[tilespmem:$0x1EC00] =	vst v63  }
0x114: {  	v5 =	vld [tilespmem:$0x0];
	_ =	sdelay $0x4  }
0x115: {  	v6 =	vshll.u32 v5, $0x3  }
0x116: {  	v5 =	vand.u32 $0x7, v5;
	v6 =	vand.u32 $0xFFFFFFC0, v6  }
0x117: {  	v5 =	vor.u32 v5, v6  }
0x118: {  	v6 =	vperm.xlane v5, v0;
	_ =	sdelay $0x1  }
0x119: {  	v5 =	vperm.xlane v5, v2;
	v6 =	vadd.s32 v1, v6;
	_ =	sdelay $0x1  }
0x11a: {  	v5 =	vadd.s32 v1, v5;
	_ =	sdelay $0x1  }
0x11b: {  	s14 =	simm.s32 $0x2800  }
0x11c: {  	[tilespmem:s14], [sflag:$0x1] =	stream.indirect_vreg.gather [hbm4b:s13+s3], $0x80, v6, vm0, $0xb8;
	[tilespmem:$0x1EC00] =	vst v63  }
0x11d: {  	s21 =	simm.s32 $0x4800  }
0x11e: {  	[tilespmem:s21], [sflag:$0x1] =	stream.indirect_vreg.gather [hbm4b:s13+s3], $0x80, v5, vm0, $0xb8;
	[tilespmem:$0x1EC00] =	vst v63  }
0x11f: {  	v5 =	vld [tilespmem:$0x10];
	_ =	sdelay $0x4  }
0x120: {  	v6 =	vshll.u32 v5, $0x3  }
0x121: {  	v5 =	vand.u32 $0x7, v5;
	v6 =	vand.u32 $0xFFFFFFC0, v6  }
0x122: {  	v5 =	vor.u32 v5, v6  }
0x123: {  	v6 =	vperm.xlane v5, v0;
	_ =	sdelay $0x1  }
0x124: {  	v5 =	vperm.xlane v5, v2;
	v6 =	vadd.s32 v1, v6;
	_ =	sdelay $0x1  }
0x125: {  	v5 =	vadd.s32 v1, v5;
	_ =	sdelay $0x1  }
0x126: {  	s22 =	simm.s32 $0x6800  }
0x127: {  	[tilespmem:s22], [sflag:$0x1] =	stream.indirect_vreg.gather [hbm4b:s13+s3], $0x80, v6, vm0, $0xb8;
	[tilespmem:$0x1EC00] =	vst v63  }
0x128: {  	s23 =	simm.s32 $0x8800  }
0x129: {  	[tilespmem:s23], [sflag:$0x1] =	stream.indirect_vreg.gather [hbm4b:s13+s3], $0x80, v5, vm0, $0xb8;
	[tilespmem:$0x1EC00] =	vst v63  }
0x12a: {  	v5 =	vld [tilespmem:$0x20];
	_ =	sdelay $0x4  }
0x12b: {  	v6 =	vshll.u32 v5, $0x3  }
0x12c: {  	v5 =	vand.u32 $0x7, v5;
	v6 =	vand.u32 $0xFFFFFFC0, v6  }
0x12d: {  	v5 =	vor.u32 v5, v6  }
0x12e: {  	v6 =	vperm.xlane v5, v0;
	_ =	sdelay $0x1  }
0x12f: {  	v5 =	vperm.xlane v5, v2;
	v6 =	vadd.s32 v1, v6;
	_ =	sdelay $0x1  }
0x130: {  	v5 =	vadd.s32 v1, v5;
	_ =	sdelay $0x1  }
0x131: {  	s24 =	simm.s32 $0xA800  }
0x132: {  	[tilespmem:s24], [sflag:$0x1] =	stream.indirect_vreg.gather [hbm4b:s13+s3], $0x80, v6, vm0, $0xb8;
	[tilespmem:$0x1EC00] =	vst v63  }
0x133: {  	s25 =	simm.s32 $0xC800  }
0x134: {  	[tilespmem:s25], [sflag:$0x1] =	stream.indirect_vreg.gather [hbm4b:s13+s3], $0x80, v5, vm0, $0xb8;
	[tilespmem:$0x1EC00] =	vst v63  }
0x135: {  	v5 =	vld.msk [tilespmem:$0x30], $0x3;
	_ =	sdelay $0x4  }
0x136: {  	v6 =	vshll.u32 v5, $0x3  }
0x137: {  	v5 =	vand.u32 $0x7, v5;
	v6 =	vand.u32 $0xFFFFFFC0, v6  }
0x138: {  	v5 =	vor.u32 v5, v6  }
0x139: {  	v5 =	vperm.xlane v5, v0;
	_ =	sdelay $0x1  }
0x13a: {  	v5 =	vadd.s32 v1, v5;
	_ =	sdelay $0x2  }
.Ltmp2:
0x13b: {  	_ = 	snop;
	(pc) =	sbr.rel .LBB2_2-.Ltmp2, $4  }
0x13c: {  	s26 =	simm.s32 $0xE800  }
0x13d: {  	[tilespmem:s26], [sflag:$0x1] =	stream.indirect_vreg.gather [hbm4b:s13+s3], $0x80, v5, vm1, $0xb8;
	[tilespmem:$0x1EC00] =	vst v63  }
0x13e: {  	s21 =	simm.s32 $0x0  }
0x13f: {  	[tilespmem:s29], [sflag:$0x3] =	stream.indirect.gather [hbm4b:s4+s28], $0x80, s3, s28, $0xb8;
	[tilespmem:$0x1EC00] =	vst v63  }
.LBB2_8:
0x140: {  	s21 =	sadd.s32 $0x1, s21  }
0x141: {  	p0 =	sne.s32 s21, $0x10  }
.Ltmp3:
0x142: {  	s2 =	sadd.s32 s6, s22;
	(pc) =	sbr.rel @!p0 .LBB2_9-.Ltmp3, $3  }
0x143: {  	s2 =	smul.u32 $0x1C00, s2;
	_ =	sdelay $0x1  }
0x144: {  	s2 =	sadd.s32 s5, s2  }
0x145: {  	[hbm4b:s2+s3] =	stream.linear.scatter [tilespmem:s0], [sflag:$0x5], $0xE000, $0x38;
	[tilespmem:$0x1EC00] =	vst v63  }
.LBB2_2:
0x146: {  	_ =	swait.ge [sflag:s30], $0x1900  }
0x147: {  	[sflag:s30] =	ssyncset.done $0x0  }
0x148: {  	s2 =	simm.s32 $0x1D038;
	[sflag:s30] =	ssyncadd.s32 $0xFFFFE700  }
0x149: {  	s22 =	simm.s32 $0x0;
	v5 =	vld [tilespmem:s2+$0xFFFFFFE0]  }
0x14a: {  	s23 =	sand.u32 $0x7, s22  }
0x14b: {  	s23 =	sshll.u32 s23, $0x7  }
0x14c: {  	s23 =	sadd.s32 $0x0, s23  }
0x14d: {  	s24 =	sor.u32 $0x1C00, s23  }
0x14e: {  	[tilespmem:s24+$0x1000] =	vst v5  }
0x14f: {  	v5 =	vld [tilespmem:s2+$0xFFFFFFF0];
	_ =	sdelay $0x3  }
0x150: {  	s26 =	sor.u32 $0x1C10, s23  }
0x151: {  	[tilespmem:s26+$0x1000] =	vst v5  }
0x152: {  	v5 =	vld [tilespmem:s2+$0x0];
	_ =	sdelay $0x3  }
0x153: {  	s7 =	sor.u32 $0x1C20, s23  }
0x154: {  	[tilespmem:s7+$0x1000] =	vst v5  }
0x155: {  	v5 =	vld [tilespmem:s2+$0x10];
	_ =	sdelay $0x3  }
0x156: {  	s14 =	sor.u32 $0x1C30, s23  }
0x157: {  	[tilespmem:s14+$0x1000] =	vst v5  }
0x158: {  	v5 =	vld [tilespmem:s2+$0x20];
	_ =	sdelay $0x3  }
0x159: {  	s25 =	sor.u32 $0x1C40, s23  }
0x15a: {  	[tilespmem:s25+$0x1000] =	vst v5;
	v5 =	vmov s22  }
0x15b: {  	v6 =	vld [tilespmem:s2+$0x30];
	v7 =	vshll.u32 v5, $0x7  }
0x15c: {  	v8 =	vor.u32 v3, v7;
	_ =	sdelay $0x2  }
0x15d: {  	s26 =	sor.u32 $0x1C50, s23;
	v5 =	vshll.u32 v5, $0xA;
	v7 =	vand.u32 $0x380, v7  }
0x15e: {  	v5 =	vor.u32 v7, v5;
	[tilespmem:s26+$0x1000] =	vst v6  }
0x15f: {  	v5 =	vor.u32 v4, v5;
	v6 =	vld.idx.msk [tilespmem:v8+s29+$0x0], $0xffff;
	_ =	sdelay $0x4  }
0x160: {  	s23 =	simm.s32 $0x1D0B8;
	[tilespmem:v5+s16+$0x0] =	vst.idx.msk $0xffff, v6  }
0x161: {  	s24 =	simm.s32 $0x1;
	s25 =	simm.s32 $0x1;
	s26 =	simm.s32 $0x2;
	v5 =	vld [tilespmem:s23+$0xFFFFFFE0]  }
.LBB2_3:
0x162: {  	p0 =	sne.s32 s26, $0x31;
	s2 =	sand.u32 $0x7, s25  }
0x163: {  	s22 =	sadd.s32 $0x400, s22;
	s2 =	sshll.u32 s2, $0x7  }
0x164: {  	s2 =	sadd.s32 s2, s22  }
0x165: {  	s7 =	sor.u32 $0x1C00, s2  }
0x166: {  	[tilespmem:s7+$0x1000] =	vst v5  }
0x167: {  	v5 =	vld [tilespmem:s23+$0xFFFFFFF0];
	_ =	sdelay $0x3  }
0x168: {  	s7 =	sor.u32 $0x1C10, s2  }
0x169: {  	[tilespmem:s7+$0x1000] =	vst v5  }
0x16a: {  	v5 =	vld [tilespmem:s23+$0x0];
	_ =	sdelay $0x3  }
0x16b: {  	s7 =	sor.u32 $0x1C20, s2  }
0x16c: {  	[tilespmem:s7+$0x1000] =	vst v5  }
0x16d: {  	v5 =	vld [tilespmem:s23+$0x10];
	_ =	sdelay $0x3  }
0x16e: {  	s7 =	sor.u32 $0x1C30, s2  }
0x16f: {  	[tilespmem:s7+$0x1000] =	vst v5  }
0x170: {  	v5 =	vld [tilespmem:s23+$0x20];
	_ =	sdelay $0x3  }
0x171: {  	s7 =	sor.u32 $0x1C40, s2  }
0x172: {  	[tilespmem:s7+$0x1000] =	vst v5;
	v5 =	vmov s24;
	s24 =	smov.u32 s26  }
0x173: {  	v6 =	vld [tilespmem:s23+$0x30];
	v7 =	vshll.u32 v5, $0x7  }
0x174: {  	v8 =	vor.u32 v3, v7;
	_ =	sdelay $0x2  }
0x175: {  	s2 =	sor.u32 $0x1C50, s2  }
0x176: {  	v5 =	vshll.u32 v5, $0xA;
	[tilespmem:s2+$0x1000] =	vst v6;
	v6 =	vand.u32 $0x380, v7  }
0x177: {  	v7 =	vld.idx.msk [tilespmem:v8+s29+$0x0], $0xffff;
	v5 =	vor.u32 v6, v5  }
0x178: {  	v5 =	vor.u32 v4, v5;
	_ =	sdelay $0x1  }
.Ltmp4:
0x179: {  	(pc) =	sbr.rel @p0 .LBB2_3-.Ltmp4, $3  }
0x17a: {  	_ =	sdelay $0x1  }
0x17b: {  	s23 =	sadd.s32 $0x80, s23;
	[tilespmem:v5+s16+$0x0] =	vst.idx.msk $0xffff, v7  }
0x17c: {  	s25 =	sadd.s32 $0x1, s25;
	s26 =	sadd.s32 $0x1, s26;
	v5 =	vld [tilespmem:s23+$0xFFFFFFE0]  }
0x17d: {  	s2 =	sand.u32 $0x7, s25  }
0x17e: {  	s7 =	sadd.s32 $0x400, s22;
	s2 =	sshll.u32 s2, $0x7  }
0x17f: {  	s2 =	sadd.s32 s2, s7  }
0x180: {  	s7 =	sor.u32 $0x1C00, s2  }
0x181: {  	[tilespmem:s7+$0x1000] =	vst v5  }
0x182: {  	v5 =	vld [tilespmem:s23+$0xFFFFFFF0];
	_ =	sdelay $0x3  }
0x183: {  	s26 =	sor.u32 $0x1C10, s2  }
0x184: {  	[tilespmem:s26+$0x1000] =	vst v5  }
0x185: {  	v5 =	vld [tilespmem:s23+$0x0];
	_ =	sdelay $0x3  }
0x186: {  	s14 =	sor.u32 $0x1C20, s2  }
0x187: {  	[tilespmem:s14+$0x1000] =	vst v5  }
0x188: {  	v5 =	vld [tilespmem:s23+$0x10];
	_ =	sdelay $0x3  }
0x189: {  	s22 =	sor.u32 $0x1C30, s2  }
0x18a: {  	[tilespmem:s22+$0x1000] =	vst v5  }
0x18b: {  	v5 =	vld [tilespmem:s23+$0x20];
	_ =	sdelay $0x3  }
0x18c: {  	s25 =	sor.u32 $0x1C40, s2  }
0x18d: {  	[tilespmem:s25+$0x1000] =	vst v5;
	v5 =	vmov s24  }
0x18e: {  	v6 =	vld [tilespmem:s23+$0x30];
	v7 =	vshll.u32 v5, $0x7  }
0x18f: {  	v8 =	vor.u32 v3, v7;
	_ =	sdelay $0x2  }
0x190: {  	s2 =	sor.u32 $0x1C50, s2;
	v5 =	vshll.u32 v5, $0xA;
	v7 =	vand.u32 $0x380, v7  }
0x191: {  	v5 =	vor.u32 v7, v5;
	[tilespmem:s2+$0x1000] =	vst v6  }
0x192: {  	v5 =	vor.u32 v4, v5;
	v6 =	vld.idx.msk [tilespmem:v8+s29+$0x0], $0xffff;
	_ =	sdelay $0x4  }
0x193: {  	[tilespmem:v5+s16+$0x0] =	vst.idx.msk $0xffff, v6  }
0x194: {  	_ =	swait.ge [sflag:s31], $0x1900  }
0x195: {  	[sflag:s31] =	ssyncset.done $0x0  }
0x196: {  	[sflag:s31] =	ssyncadd.s32 $0xFFFFE700  }
0x197: {  	_ =	swait.ge [sflag:s31], $0x1900  }
0x198: {  	[sflag:s31] =	ssyncset.done $0x0  }
0x199: {  	[sflag:s31] =	ssyncadd.s32 $0xFFFFE700  }
0x19a: {  	_ =	swait.ge [sflag:s31], $0x1900  }
0x19b: {  	[sflag:s31] =	ssyncset.done $0x0  }
0x19c: {  	[sflag:s31] =	ssyncadd.s32 $0xFFFFE700  }
0x19d: {  	_ =	swait.ge [sflag:s31], $0x1900  }
0x19e: {  	[sflag:s31] =	ssyncset.done $0x0  }
0x19f: {  	[sflag:s31] =	ssyncadd.s32 $0xFFFFE700  }
0x1a0: {  	_ =	swait.ge [sflag:s31], $0x1900  }
0x1a1: {  	[sflag:s31] =	ssyncset.done $0x0  }
0x1a2: {  	[sflag:s31] =	ssyncadd.s32 $0xFFFFE700  }
0x1a3: {  	_ =	swait.ge [sflag:s31], $0x1900  }
0x1a4: {  	[sflag:s31] =	ssyncset.done $0x0  }
0x1a5: {  	[sflag:s31] =	ssyncadd.s32 $0xFFFFE700  }
0x1a6: {  	_ =	swait.ge [sflag:s31], $0x1900  }
0x1a7: {  	p0 =	seq.s32 s21, $0x0;
	[sflag:s31] =	ssyncset.done $0x0  }
0x1a8: {  	s24 =	sshll.u32 s21, $0x1;
	s2 =	simm.s32 @!p0 $0x5;
	[sflag:s31] =	ssyncadd.s32 $0xFFFFE700  }
0x1a9: {  	s22 =	sor.u32 $0x1, s24;
	_ =	swait.ge @!p0 [sflag:s2], $0xE000  }
0x1aa: {  	s26 =	sshll.u32 s22, $0x7;
	[sflag:s2] =	ssyncset.done @!p0 $0x0  }
0x1ab: {  	s25 =	sand.u32 $0x3FFFFF80, s26;
	[sflag:s2] =	ssyncadd.s32 @!p0 $0xFFFF2000  }
0x1ac: {  	v5 =	vld [tilespmem:s25+$0x0];
	_ =	sdelay $0x4  }
0x1ad: {  	v6 =	vshll.u32 v5, $0x3  }
0x1ae: {  	v5 =	vand.u32 $0x7, v5;
	v6 =	vand.u32 $0xFFFFFFC0, v6  }
0x1af: {  	v5 =	vor.u32 v5, v6  }
0x1b0: {  	v6 =	vperm.xlane v5, v0;
	_ =	sdelay $0x1  }
0x1b1: {  	v5 =	vperm.xlane v5, v2;
	v6 =	vadd.s32 v1, v6;
	_ =	sdelay $0x1  }
0x1b2: {  	v5 =	vadd.s32 v1, v5;
	_ =	sdelay $0x1  }
0x1b3: {  	s23 =	simm.s32 $0x0  }
0x1b4: {  	[tilespmem:s0], [sflag:$0x2] =	stream.indirect_vreg.gather [hbm4b:s1+s23], $0x80, v6, vm0, $0xb8;
	[tilespmem:$0x1EC00] =	vst v63  }
0x1b5: {  	s14 =	simm.s32 $0x11000  }
0x1b6: {  	[tilespmem:s14], [sflag:$0x2] =	stream.indirect_vreg.gather [hbm4b:s1+s23], $0x80, v5, vm0, $0xb8;
	[tilespmem:$0x1EC00] =	vst v63  }
0x1b7: {  	v5 =	vld [tilespmem:s25+$0x10];
	_ =	sdelay $0x4  }
0x1b8: {  	v6 =	vshll.u32 v5, $0x3  }
0x1b9: {  	v5 =	vand.u32 $0x7, v5;
	v6 =	vand.u32 $0xFFFFFFC0, v6  }
0x1ba: {  	v5 =	vor.u32 v5, v6  }
0x1bb: {  	v6 =	vperm.xlane v5, v0;
	_ =	sdelay $0x1  }
0x1bc: {  	v5 =	vperm.xlane v5, v2;
	v6 =	vadd.s32 v1, v6;
	_ =	sdelay $0x1  }
0x1bd: {  	v5 =	vadd.s32 v1, v5;
	_ =	sdelay $0x1  }
0x1be: {  	s26 =	simm.s32 $0x13000  }
0x1bf: {  	[tilespmem:s26], [sflag:$0x2] =	stream.indirect_vreg.gather [hbm4b:s1+s23], $0x80, v6, vm0, $0xb8;
	[tilespmem:$0x1EC00] =	vst v63  }
0x1c0: {  	s7 =	simm.s32 $0x15000  }
0x1c1: {  	[tilespmem:s7], [sflag:$0x2] =	stream.indirect_vreg.gather [hbm4b:s1+s23], $0x80, v5, vm0, $0xb8;
	[tilespmem:$0x1EC00] =	vst v63  }
0x1c2: {  	v5 =	vld [tilespmem:s25+$0x20];
	_ =	sdelay $0x4  }
0x1c3: {  	v6 =	vshll.u32 v5, $0x3  }
0x1c4: {  	v5 =	vand.u32 $0x7, v5;
	v6 =	vand.u32 $0xFFFFFFC0, v6  }
0x1c5: {  	v5 =	vor.u32 v5, v6  }
0x1c6: {  	v6 =	vperm.xlane v5, v0;
	_ =	sdelay $0x1  }
0x1c7: {  	v5 =	vperm.xlane v5, v2;
	v6 =	vadd.s32 v1, v6;
	_ =	sdelay $0x1  }
0x1c8: {  	v5 =	vadd.s32 v1, v5;
	_ =	sdelay $0x1  }
0x1c9: {  	s14 =	simm.s32 $0x17000  }
0x1ca: {  	[tilespmem:s14], [sflag:$0x2] =	stream.indirect_vreg.gather [hbm4b:s1+s23], $0x80, v6, vm0, $0xb8;
	[tilespmem:$0x1EC00] =	vst v63  }
0x1cb: {  	s26 =	simm.s32 $0x19000  }
0x1cc: {  	[tilespmem:s26], [sflag:$0x2] =	stream.indirect_vreg.gather [hbm4b:s1+s23], $0x80, v5, vm0, $0xb8;
	[tilespmem:$0x1EC00] =	vst v63  }
0x1cd: {  	s26 =	sor.u32 $0x30, s25  }
0x1ce: {  	v5 =	vld.msk [tilespmem:s26+$0x0], $0x3;
	_ =	sdelay $0x4  }
0x1cf: {  	v6 =	vshll.u32 v5, $0x3  }
0x1d0: {  	v5 =	vand.u32 $0x7, v5;
	v6 =	vand.u32 $0xFFFFFFC0, v6  }
0x1d1: {  	v5 =	vor.u32 v5, v6  }
0x1d2: {  	v5 =	vperm.xlane v5, v0;
	_ =	sdelay $0x1  }
0x1d3: {  	v5 =	vadd.s32 v1, v5;
	_ =	sdelay $0x3  }
0x1d4: {  	s7 =	simm.s32 $0x1B000  }
0x1d5: {  	[tilespmem:s7], [sflag:$0x2] =	stream.indirect_vreg.gather [hbm4b:s1+s23], $0x80, v5, vm1, $0xb8;
	[tilespmem:$0x1EC00] =	vst v63  }
0x1d6: {  	v5 =	vld [tilespmem:s25+$0x0];
	_ =	sdelay $0x4  }
0x1d7: {  	v6 =	vshll.u32 v5, $0x3  }
0x1d8: {  	v5 =	vand.u32 $0x7, v5;
	v6 =	vand.u32 $0xFFFFFFC0, v6  }
0x1d9: {  	v5 =	vor.u32 v5, v6  }
0x1da: {  	v6 =	vperm.xlane v5, v0;
	_ =	sdelay $0x1  }
0x1db: {  	v5 =	vperm.xlane v5, v2;
	v6 =	vadd.s32 v1, v6;
	_ =	sdelay $0x1  }
0x1dc: {  	v5 =	vadd.s32 v1, v5;
	_ =	sdelay $0x1  }
0x1dd: {  	s14 =	simm.s32 $0xF400  }
0x1de: {  	[tilespmem:s14], [sflag:$0x2] =	stream.indirect_vreg.gather [hbm4b:s8+s23], $0x80, v6, vm0, $0xb8;
	[tilespmem:$0x1EC00] =	vst v63  }
0x1df: {  	s7 =	simm.s32 $0x11400  }
0x1e0: {  	[tilespmem:s7], [sflag:$0x2] =	stream.indirect_vreg.gather [hbm4b:s8+s23], $0x80, v5, vm0, $0xb8;
	[tilespmem:$0x1EC00] =	vst v63  }
0x1e1: {  	v5 =	vld [tilespmem:s25+$0x10];
	_ =	sdelay $0x4  }
0x1e2: {  	v6 =	vshll.u32 v5, $0x3  }
0x1e3: {  	v5 =	vand.u32 $0x7, v5;
	v6 =	vand.u32 $0xFFFFFFC0, v6  }
0x1e4: {  	v5 =	vor.u32 v5, v6  }
0x1e5: {  	v6 =	vperm.xlane v5, v0;
	_ =	sdelay $0x1  }
0x1e6: {  	v5 =	vperm.xlane v5, v2;
	v6 =	vadd.s32 v1, v6;
	_ =	sdelay $0x1  }
0x1e7: {  	v5 =	vadd.s32 v1, v5;
	_ =	sdelay $0x1  }
0x1e8: {  	s14 =	simm.s32 $0x13400  }
0x1e9: {  	[tilespmem:s14], [sflag:$0x2] =	stream.indirect_vreg.gather [hbm4b:s8+s23], $0x80, v6, vm0, $0xb8;
	[tilespmem:$0x1EC00] =	vst v63  }
0x1ea: {  	s7 =	simm.s32 $0x15400  }
0x1eb: {  	[tilespmem:s7], [sflag:$0x2] =	stream.indirect_vreg.gather [hbm4b:s8+s23], $0x80, v5, vm0, $0xb8;
	[tilespmem:$0x1EC00] =	vst v63  }
0x1ec: {  	v5 =	vld [tilespmem:s25+$0x20];
	_ =	sdelay $0x4  }
0x1ed: {  	v6 =	vshll.u32 v5, $0x3  }
0x1ee: {  	v5 =	vand.u32 $0x7, v5;
	v6 =	vand.u32 $0xFFFFFFC0, v6  }
0x1ef: {  	v5 =	vor.u32 v5, v6  }
0x1f0: {  	v6 =	vperm.xlane v5, v0;
	_ =	sdelay $0x1  }
0x1f1: {  	v5 =	vperm.xlane v5, v2;
	v6 =	vadd.s32 v1, v6;
	_ =	sdelay $0x1  }
0x1f2: {  	v5 =	vadd.s32 v1, v5;
	_ =	sdelay $0x1  }
0x1f3: {  	s14 =	simm.s32 $0x17400  }
0x1f4: {  	[tilespmem:s14], [sflag:$0x2] =	stream.indirect_vreg.gather [hbm4b:s8+s23], $0x80, v6, vm0, $0xb8;
	[tilespmem:$0x1EC00] =	vst v63  }
0x1f5: {  	s7 =	simm.s32 $0x19400  }
0x1f6: {  	[tilespmem:s7], [sflag:$0x2] =	stream.indirect_vreg.gather [hbm4b:s8+s23], $0x80, v5, vm0, $0xb8;
	[tilespmem:$0x1EC00] =	vst v63  }
0x1f7: {  	v5 =	vld.msk [tilespmem:s26+$0x0], $0x3;
	_ =	sdelay $0x4  }
0x1f8: {  	v6 =	vshll.u32 v5, $0x3  }
0x1f9: {  	v5 =	vand.u32 $0x7, v5;
	v6 =	vand.u32 $0xFFFFFFC0, v6  }
0x1fa: {  	v5 =	vor.u32 v5, v6  }
0x1fb: {  	v5 =	vperm.xlane v5, v0;
	_ =	sdelay $0x1  }
0x1fc: {  	v5 =	vadd.s32 v1, v5;
	_ =	sdelay $0x3  }
0x1fd: {  	s14 =	simm.s32 $0x1B400  }
0x1fe: {  	[tilespmem:s14], [sflag:$0x2] =	stream.indirect_vreg.gather [hbm4b:s8+s23], $0x80, v5, vm1, $0xb8;
	[tilespmem:$0x1EC00] =	vst v63  }
0x1ff: {  	v5 =	vld [tilespmem:s25+$0x0];
	_ =	sdelay $0x4  }
0x200: {  	v6 =	vshll.u32 v5, $0x3  }
0x201: {  	v5 =	vand.u32 $0x7, v5;
	v6 =	vand.u32 $0xFFFFFFC0, v6  }
0x202: {  	v5 =	vor.u32 v5, v6  }
0x203: {  	v6 =	vperm.xlane v5, v0;
	_ =	sdelay $0x1  }
0x204: {  	v5 =	vperm.xlane v5, v2;
	v6 =	vadd.s32 v1, v6;
	_ =	sdelay $0x1  }
0x205: {  	v5 =	vadd.s32 v1, v5;
	_ =	sdelay $0x1  }
0x206: {  	s7 =	simm.s32 $0xF800  }
0x207: {  	[tilespmem:s7], [sflag:$0x2] =	stream.indirect_vreg.gather [hbm4b:s9+s23], $0x80, v6, vm0, $0xb8;
	[tilespmem:$0x1EC00] =	vst v63  }
0x208: {  	s14 =	simm.s32 $0x11800  }
0x209: {  	[tilespmem:s14], [sflag:$0x2] =	stream.indirect_vreg.gather [hbm4b:s9+s23], $0x80, v5, vm0, $0xb8;
	[tilespmem:$0x1EC00] =	vst v63  }
0x20a: {  	v5 =	vld [tilespmem:s25+$0x10];
	_ =	sdelay $0x4  }
0x20b: {  	v6 =	vshll.u32 v5, $0x3  }
0x20c: {  	v5 =	vand.u32 $0x7, v5;
	v6 =	vand.u32 $0xFFFFFFC0, v6  }
0x20d: {  	v5 =	vor.u32 v5, v6  }
0x20e: {  	v6 =	vperm.xlane v5, v0;
	_ =	sdelay $0x1  }
0x20f: {  	v5 =	vperm.xlane v5, v2;
	v6 =	vadd.s32 v1, v6;
	_ =	sdelay $0x1  }
0x210: {  	v5 =	vadd.s32 v1, v5;
	_ =	sdelay $0x1  }
0x211: {  	s7 =	simm.s32 $0x13800  }
0x212: {  	[tilespmem:s7], [sflag:$0x2] =	stream.indirect_vreg.gather [hbm4b:s9+s23], $0x80, v6, vm0, $0xb8;
	[tilespmem:$0x1EC00] =	vst v63  }
0x213: {  	s14 =	simm.s32 $0x15800  }
0x214: {  	[tilespmem:s14], [sflag:$0x2] =	stream.indirect_vreg.gather [hbm4b:s9+s23], $0x80, v5, vm0, $0xb8;
	[tilespmem:$0x1EC00] =	vst v63  }
0x215: {  	v5 =	vld [tilespmem:s25+$0x20];
	_ =	sdelay $0x4  }
0x216: {  	v6 =	vshll.u32 v5, $0x3  }
0x217: {  	v5 =	vand.u32 $0x7, v5;
	v6 =	vand.u32 $0xFFFFFFC0, v6  }
0x218: {  	v5 =	vor.u32 v5, v6  }
0x219: {  	v6 =	vperm.xlane v5, v0;
	_ =	sdelay $0x1  }
0x21a: {  	v5 =	vperm.xlane v5, v2;
	v6 =	vadd.s32 v1, v6;
	_ =	sdelay $0x1  }
0x21b: {  	v5 =	vadd.s32 v1, v5;
	_ =	sdelay $0x1  }
0x21c: {  	s7 =	simm.s32 $0x17800  }
0x21d: {  	[tilespmem:s7], [sflag:$0x2] =	stream.indirect_vreg.gather [hbm4b:s9+s23], $0x80, v6, vm0, $0xb8;
	[tilespmem:$0x1EC00] =	vst v63  }
0x21e: {  	s14 =	simm.s32 $0x19800  }
0x21f: {  	[tilespmem:s14], [sflag:$0x2] =	stream.indirect_vreg.gather [hbm4b:s9+s23], $0x80, v5, vm0, $0xb8;
	[tilespmem:$0x1EC00] =	vst v63  }
0x220: {  	v5 =	vld.msk [tilespmem:s26+$0x0], $0x3;
	_ =	sdelay $0x4  }
0x221: {  	v6 =	vshll.u32 v5, $0x3  }
0x222: {  	v5 =	vand.u32 $0x7, v5;
	v6 =	vand.u32 $0xFFFFFFC0, v6  }
0x223: {  	v5 =	vor.u32 v5, v6  }
0x224: {  	v5 =	vperm.xlane v5, v0;
	_ =	sdelay $0x1  }
0x225: {  	v5 =	vadd.s32 v1, v5;
	_ =	sdelay $0x3  }
0x226: {  	s7 =	simm.s32 $0x1B800  }
0x227: {  	[tilespmem:s7], [sflag:$0x2] =	stream.indirect_vreg.gather [hbm4b:s9+s23], $0x80, v5, vm1, $0xb8;
	[tilespmem:$0x1EC00] =	vst v63  }
0x228: {  	v5 =	vld [tilespmem:s25+$0x0];
	_ =	sdelay $0x4  }
0x229: {  	v6 =	vshll.u32 v5, $0x3  }
0x22a: {  	v5 =	vand.u32 $0x7, v5;
	v6 =	vand.u32 $0xFFFFFFC0, v6  }
0x22b: {  	v5 =	vor.u32 v5, v6  }
0x22c: {  	v6 =	vperm.xlane v5, v0;
	_ =	sdelay $0x1  }
0x22d: {  	v5 =	vperm.xlane v5, v2;
	v6 =	vadd.s32 v1, v6;
	_ =	sdelay $0x1  }
0x22e: {  	v5 =	vadd.s32 v1, v5;
	_ =	sdelay $0x1  }
0x22f: {  	s14 =	simm.s32 $0xFC00  }
0x230: {  	[tilespmem:s14], [sflag:$0x2] =	stream.indirect_vreg.gather [hbm4b:s10+s23], $0x80, v6, vm0, $0xb8;
	[tilespmem:$0x1EC00] =	vst v63  }
0x231: {  	s7 =	simm.s32 $0x11C00  }
0x232: {  	[tilespmem:s7], [sflag:$0x2] =	stream.indirect_vreg.gather [hbm4b:s10+s23], $0x80, v5, vm0, $0xb8;
	[tilespmem:$0x1EC00] =	vst v63  }
0x233: {  	v5 =	vld [tilespmem:s25+$0x10];
	_ =	sdelay $0x4  }
0x234: {  	v6 =	vshll.u32 v5, $0x3  }
0x235: {  	v5 =	vand.u32 $0x7, v5;
	v6 =	vand.u32 $0xFFFFFFC0, v6  }
0x236: {  	v5 =	vor.u32 v5, v6  }
0x237: {  	v6 =	vperm.xlane v5, v0;
	_ =	sdelay $0x1  }
0x238: {  	v5 =	vperm.xlane v5, v2;
	v6 =	vadd.s32 v1, v6;
	_ =	sdelay $0x1  }
0x239: {  	v5 =	vadd.s32 v1, v5;
	_ =	sdelay $0x1  }
0x23a: {  	s14 =	simm.s32 $0x13C00  }
0x23b: {  	[tilespmem:s14], [sflag:$0x2] =	stream.indirect_vreg.gather [hbm4b:s10+s23], $0x80, v6, vm0, $0xb8;
	[tilespmem:$0x1EC00] =	vst v63  }
0x23c: {  	s7 =	simm.s32 $0x15C00  }
0x23d: {  	[tilespmem:s7], [sflag:$0x2] =	stream.indirect_vreg.gather [hbm4b:s10+s23], $0x80, v5, vm0, $0xb8;
	[tilespmem:$0x1EC00] =	vst v63  }
0x23e: {  	v5 =	vld [tilespmem:s25+$0x20];
	_ =	sdelay $0x4  }
0x23f: {  	v6 =	vshll.u32 v5, $0x3  }
0x240: {  	v5 =	vand.u32 $0x7, v5;
	v6 =	vand.u32 $0xFFFFFFC0, v6  }
0x241: {  	v5 =	vor.u32 v5, v6  }
0x242: {  	v6 =	vperm.xlane v5, v0;
	_ =	sdelay $0x1  }
0x243: {  	v5 =	vperm.xlane v5, v2;
	v6 =	vadd.s32 v1, v6;
	_ =	sdelay $0x1  }
0x244: {  	v5 =	vadd.s32 v1, v5;
	_ =	sdelay $0x1  }
0x245: {  	s14 =	simm.s32 $0x17C00  }
0x246: {  	[tilespmem:s14], [sflag:$0x2] =	stream.indirect_vreg.gather [hbm4b:s10+s23], $0x80, v6, vm0, $0xb8;
	[tilespmem:$0x1EC00] =	vst v63  }
0x247: {  	s7 =	simm.s32 $0x19C00  }
0x248: {  	[tilespmem:s7], [sflag:$0x2] =	stream.indirect_vreg.gather [hbm4b:s10+s23], $0x80, v5, vm0, $0xb8;
	[tilespmem:$0x1EC00] =	vst v63  }
0x249: {  	v5 =	vld.msk [tilespmem:s26+$0x0], $0x3;
	_ =	sdelay $0x4  }
0x24a: {  	v6 =	vshll.u32 v5, $0x3  }
0x24b: {  	v5 =	vand.u32 $0x7, v5;
	v6 =	vand.u32 $0xFFFFFFC0, v6  }
0x24c: {  	v5 =	vor.u32 v5, v6  }
0x24d: {  	v5 =	vperm.xlane v5, v0;
	_ =	sdelay $0x1  }
0x24e: {  	v5 =	vadd.s32 v1, v5;
	_ =	sdelay $0x3  }
0x24f: {  	s14 =	simm.s32 $0x1BC00  }
0x250: {  	[tilespmem:s14], [sflag:$0x2] =	stream.indirect_vreg.gather [hbm4b:s10+s23], $0x80, v5, vm1, $0xb8;
	[tilespmem:$0x1EC00] =	vst v63  }
0x251: {  	v5 =	vld [tilespmem:s25+$0x0];
	_ =	sdelay $0x4  }
0x252: {  	v6 =	vshll.u32 v5, $0x3  }
0x253: {  	v5 =	vand.u32 $0x7, v5;
	v6 =	vand.u32 $0xFFFFFFC0, v6  }
0x254: {  	v5 =	vor.u32 v5, v6  }
0x255: {  	v6 =	vperm.xlane v5, v0;
	_ =	sdelay $0x1  }
0x256: {  	v5 =	vperm.xlane v5, v2;
	v6 =	vadd.s32 v1, v6;
	_ =	sdelay $0x1  }
0x257: {  	v5 =	vadd.s32 v1, v5;
	_ =	sdelay $0x1  }
0x258: {  	s7 =	simm.s32 $0x10000  }
0x259: {  	[tilespmem:s7], [sflag:$0x2] =	stream.indirect_vreg.gather [hbm4b:s11+s23], $0x80, v6, vm0, $0xb8;
	[tilespmem:$0x1EC00] =	vst v63  }
0x25a: {  	s14 =	simm.s32 $0x12000  }
0x25b: {  	[tilespmem:s14], [sflag:$0x2] =	stream.indirect_vreg.gather [hbm4b:s11+s23], $0x80, v5, vm0, $0xb8;
	[tilespmem:$0x1EC00] =	vst v63  }
0x25c: {  	v5 =	vld [tilespmem:s25+$0x10];
	_ =	sdelay $0x4  }
0x25d: {  	v6 =	vshll.u32 v5, $0x3  }
0x25e: {  	v5 =	vand.u32 $0x7, v5;
	v6 =	vand.u32 $0xFFFFFFC0, v6  }
0x25f: {  	v5 =	vor.u32 v5, v6  }
0x260: {  	v6 =	vperm.xlane v5, v0;
	_ =	sdelay $0x1  }
0x261: {  	v5 =	vperm.xlane v5, v2;
	v6 =	vadd.s32 v1, v6;
	_ =	sdelay $0x1  }
0x262: {  	v5 =	vadd.s32 v1, v5;
	_ =	sdelay $0x1  }
0x263: {  	s7 =	simm.s32 $0x14000  }
0x264: {  	[tilespmem:s7], [sflag:$0x2] =	stream.indirect_vreg.gather [hbm4b:s11+s23], $0x80, v6, vm0, $0xb8;
	[tilespmem:$0x1EC00] =	vst v63  }
0x265: {  	s14 =	simm.s32 $0x16000  }
0x266: {  	[tilespmem:s14], [sflag:$0x2] =	stream.indirect_vreg.gather [hbm4b:s11+s23], $0x80, v5, vm0, $0xb8;
	[tilespmem:$0x1EC00] =	vst v63  }
0x267: {  	v5 =	vld [tilespmem:s25+$0x20];
	_ =	sdelay $0x4  }
0x268: {  	v6 =	vshll.u32 v5, $0x3  }
0x269: {  	v5 =	vand.u32 $0x7, v5;
	v6 =	vand.u32 $0xFFFFFFC0, v6  }
0x26a: {  	v5 =	vor.u32 v5, v6  }
0x26b: {  	v6 =	vperm.xlane v5, v0;
	_ =	sdelay $0x1  }
0x26c: {  	v5 =	vperm.xlane v5, v2;
	v6 =	vadd.s32 v1, v6;
	_ =	sdelay $0x1  }
0x26d: {  	v5 =	vadd.s32 v1, v5;
	_ =	sdelay $0x1  }
0x26e: {  	s7 =	simm.s32 $0x18000  }
0x26f: {  	[tilespmem:s7], [sflag:$0x2] =	stream.indirect_vreg.gather [hbm4b:s11+s23], $0x80, v6, vm0, $0xb8;
	[tilespmem:$0x1EC00] =	vst v63  }
0x270: {  	s14 =	simm.s32 $0x1A000  }
0x271: {  	[tilespmem:s14], [sflag:$0x2] =	stream.indirect_vreg.gather [hbm4b:s11+s23], $0x80, v5, vm0, $0xb8;
	[tilespmem:$0x1EC00] =	vst v63  }
0x272: {  	v5 =	vld.msk [tilespmem:s26+$0x0], $0x3;
	_ =	sdelay $0x4  }
0x273: {  	v6 =	vshll.u32 v5, $0x3  }
0x274: {  	v5 =	vand.u32 $0x7, v5;
	v6 =	vand.u32 $0xFFFFFFC0, v6  }
0x275: {  	v5 =	vor.u32 v5, v6  }
0x276: {  	v5 =	vperm.xlane v5, v0;
	_ =	sdelay $0x1  }
0x277: {  	v5 =	vadd.s32 v1, v5;
	_ =	sdelay $0x3  }
0x278: {  	s7 =	simm.s32 $0x1C000  }
0x279: {  	[tilespmem:s7], [sflag:$0x2] =	stream.indirect_vreg.gather [hbm4b:s11+s23], $0x80, v5, vm1, $0xb8;
	[tilespmem:$0x1EC00] =	vst v63  }
0x27a: {  	v5 =	vld [tilespmem:s25+$0x0];
	_ =	sdelay $0x4  }
0x27b: {  	v6 =	vshll.u32 v5, $0x3  }
0x27c: {  	v5 =	vand.u32 $0x7, v5;
	v6 =	vand.u32 $0xFFFFFFC0, v6  }
0x27d: {  	v5 =	vor.u32 v5, v6  }
0x27e: {  	v6 =	vperm.xlane v5, v0;
	_ =	sdelay $0x1  }
0x27f: {  	v5 =	vperm.xlane v5, v2;
	v6 =	vadd.s32 v1, v6;
	_ =	sdelay $0x1  }
0x280: {  	v5 =	vadd.s32 v1, v5;
	_ =	sdelay $0x1  }
0x281: {  	s14 =	simm.s32 $0x10400  }
0x282: {  	[tilespmem:s14], [sflag:$0x2] =	stream.indirect_vreg.gather [hbm4b:s12+s23], $0x80, v6, vm0, $0xb8;
	[tilespmem:$0x1EC00] =	vst v63  }
0x283: {  	s7 =	simm.s32 $0x12400  }
0x284: {  	[tilespmem:s7], [sflag:$0x2] =	stream.indirect_vreg.gather [hbm4b:s12+s23], $0x80, v5, vm0, $0xb8;
	[tilespmem:$0x1EC00] =	vst v63  }
0x285: {  	v5 =	vld [tilespmem:s25+$0x10];
	_ =	sdelay $0x4  }
0x286: {  	v6 =	vshll.u32 v5, $0x3  }
0x287: {  	v5 =	vand.u32 $0x7, v5;
	v6 =	vand.u32 $0xFFFFFFC0, v6  }
0x288: {  	v5 =	vor.u32 v5, v6  }
0x289: {  	v6 =	vperm.xlane v5, v0;
	_ =	sdelay $0x1  }
0x28a: {  	v5 =	vperm.xlane v5, v2;
	v6 =	vadd.s32 v1, v6;
	_ =	sdelay $0x1  }
0x28b: {  	v5 =	vadd.s32 v1, v5;
	_ =	sdelay $0x1  }
0x28c: {  	s14 =	simm.s32 $0x14400  }
0x28d: {  	[tilespmem:s14], [sflag:$0x2] =	stream.indirect_vreg.gather [hbm4b:s12+s23], $0x80, v6, vm0, $0xb8;
	[tilespmem:$0x1EC00] =	vst v63  }
0x28e: {  	s7 =	simm.s32 $0x16400  }
0x28f: {  	[tilespmem:s7], [sflag:$0x2] =	stream.indirect_vreg.gather [hbm4b:s12+s23], $0x80, v5, vm0, $0xb8;
	[tilespmem:$0x1EC00] =	vst v63  }
0x290: {  	v5 =	vld [tilespmem:s25+$0x20];
	_ =	sdelay $0x4  }
0x291: {  	v6 =	vshll.u32 v5, $0x3  }
0x292: {  	v5 =	vand.u32 $0x7, v5;
	v6 =	vand.u32 $0xFFFFFFC0, v6  }
0x293: {  	v5 =	vor.u32 v5, v6  }
0x294: {  	v6 =	vperm.xlane v5, v0;
	_ =	sdelay $0x1  }
0x295: {  	v5 =	vperm.xlane v5, v2;
	v6 =	vadd.s32 v1, v6;
	_ =	sdelay $0x1  }
0x296: {  	v5 =	vadd.s32 v1, v5;
	_ =	sdelay $0x1  }
0x297: {  	s14 =	simm.s32 $0x18400  }
0x298: {  	[tilespmem:s14], [sflag:$0x2] =	stream.indirect_vreg.gather [hbm4b:s12+s23], $0x80, v6, vm0, $0xb8;
	[tilespmem:$0x1EC00] =	vst v63  }
0x299: {  	s7 =	simm.s32 $0x1A400  }
0x29a: {  	[tilespmem:s7], [sflag:$0x2] =	stream.indirect_vreg.gather [hbm4b:s12+s23], $0x80, v5, vm0, $0xb8;
	[tilespmem:$0x1EC00] =	vst v63  }
0x29b: {  	v5 =	vld.msk [tilespmem:s26+$0x0], $0x3;
	_ =	sdelay $0x4  }
0x29c: {  	v6 =	vshll.u32 v5, $0x3  }
0x29d: {  	v5 =	vand.u32 $0x7, v5;
	v6 =	vand.u32 $0xFFFFFFC0, v6  }
0x29e: {  	v5 =	vor.u32 v5, v6  }
0x29f: {  	v5 =	vperm.xlane v5, v0;
	_ =	sdelay $0x1  }
0x2a0: {  	v5 =	vadd.s32 v1, v5;
	_ =	sdelay $0x3  }
0x2a1: {  	s14 =	simm.s32 $0x1C400  }
0x2a2: {  	[tilespmem:s14], [sflag:$0x2] =	stream.indirect_vreg.gather [hbm4b:s12+s23], $0x80, v5, vm1, $0xb8;
	[tilespmem:$0x1EC00] =	vst v63  }
0x2a3: {  	v5 =	vld [tilespmem:s25+$0x0];
	_ =	sdelay $0x4  }
0x2a4: {  	v6 =	vshll.u32 v5, $0x3  }
0x2a5: {  	v5 =	vand.u32 $0x7, v5;
	v6 =	vand.u32 $0xFFFFFFC0, v6  }
0x2a6: {  	v5 =	vor.u32 v5, v6  }
0x2a7: {  	v6 =	vperm.xlane v5, v0;
	_ =	sdelay $0x1  }
0x2a8: {  	v5 =	vperm.xlane v5, v2;
	v6 =	vadd.s32 v1, v6;
	_ =	sdelay $0x1  }
0x2a9: {  	v5 =	vadd.s32 v1, v5;
	_ =	sdelay $0x1  }
0x2aa: {  	s7 =	simm.s32 $0x10800  }
0x2ab: {  	[tilespmem:s7], [sflag:$0x2] =	stream.indirect_vreg.gather [hbm4b:s13+s23], $0x80, v6, vm0, $0xb8;
	[tilespmem:$0x1EC00] =	vst v63  }
0x2ac: {  	s14 =	simm.s32 $0x12800  }
0x2ad: {  	[tilespmem:s14], [sflag:$0x2] =	stream.indirect_vreg.gather [hbm4b:s13+s23], $0x80, v5, vm0, $0xb8;
	[tilespmem:$0x1EC00] =	vst v63  }
0x2ae: {  	v5 =	vld [tilespmem:s25+$0x10];
	_ =	sdelay $0x4  }
0x2af: {  	v6 =	vshll.u32 v5, $0x3  }
0x2b0: {  	v5 =	vand.u32 $0x7, v5;
	v6 =	vand.u32 $0xFFFFFFC0, v6  }
0x2b1: {  	v5 =	vor.u32 v5, v6  }
0x2b2: {  	v6 =	vperm.xlane v5, v0;
	_ =	sdelay $0x1  }
0x2b3: {  	v5 =	vperm.xlane v5, v2;
	v6 =	vadd.s32 v1, v6;
	_ =	sdelay $0x1  }
0x2b4: {  	v5 =	vadd.s32 v1, v5;
	_ =	sdelay $0x1  }
0x2b5: {  	s7 =	simm.s32 $0x14800  }
0x2b6: {  	[tilespmem:s7], [sflag:$0x2] =	stream.indirect_vreg.gather [hbm4b:s13+s23], $0x80, v6, vm0, $0xb8;
	[tilespmem:$0x1EC00] =	vst v63  }
0x2b7: {  	s14 =	simm.s32 $0x16800  }
0x2b8: {  	[tilespmem:s14], [sflag:$0x2] =	stream.indirect_vreg.gather [hbm4b:s13+s23], $0x80, v5, vm0, $0xb8;
	[tilespmem:$0x1EC00] =	vst v63  }
0x2b9: {  	v5 =	vld [tilespmem:s25+$0x20];
	_ =	sdelay $0x4  }
0x2ba: {  	v6 =	vshll.u32 v5, $0x3  }
0x2bb: {  	v5 =	vand.u32 $0x7, v5;
	v6 =	vand.u32 $0xFFFFFFC0, v6  }
0x2bc: {  	v5 =	vor.u32 v5, v6  }
0x2bd: {  	v6 =	vperm.xlane v5, v0;
	_ =	sdelay $0x1  }
0x2be: {  	v5 =	vperm.xlane v5, v2;
	v6 =	vadd.s32 v1, v6;
	_ =	sdelay $0x1  }
0x2bf: {  	v5 =	vadd.s32 v1, v5;
	_ =	sdelay $0x2  }
0x2c0: {  	[tilespmem:s15], [sflag:$0x2] =	stream.indirect_vreg.gather [hbm4b:s13+s23], $0x80, v6, vm0, $0xb8;
	[tilespmem:$0x1EC00] =	vst v63  }
0x2c1: {  	_ = 	snop  }
0x2c2: {  	[tilespmem:s17], [sflag:$0x2] =	stream.indirect_vreg.gather [hbm4b:s13+s23], $0x80, v5, vm0, $0xb8;
	[tilespmem:$0x1EC00] =	vst v63  }
0x2c3: {  	v5 =	vld.msk [tilespmem:s26+$0x0], $0x3;
	_ =	sdelay $0x4  }
0x2c4: {  	v6 =	vshll.u32 v5, $0x3  }
0x2c5: {  	v5 =	vand.u32 $0x7, v5;
	v6 =	vand.u32 $0xFFFFFFC0, v6  }
0x2c6: {  	v5 =	vor.u32 v5, v6  }
0x2c7: {  	v5 =	vperm.xlane v5, v0;
	_ =	sdelay $0x1  }
0x2c8: {  	v5 =	vadd.s32 v1, v5;
	_ =	sdelay $0x3  }
0x2c9: {  	s24 =	sadd.s32 s6, s24  }
0x2ca: {  	[tilespmem:s18], [sflag:$0x2] =	stream.indirect_vreg.gather [hbm4b:s13+s23], $0x80, v5, vm1, $0xb8;
	[tilespmem:$0x1EC00] =	vst v63  }
0x2cb: {  	s2 =	smul.u32 $0x1C00, s24  }
0x2cc: {  	[tilespmem:s29], [sflag:$0x3] =	stream.indirect.gather [hbm4b:s4+s28], $0x80, s25, s28, $0xb8;
	[tilespmem:$0x1EC00] =	vst v63  }
0x2cd: {  	s2 =	sadd.s32 s5, s2  }
0x2ce: {  	[hbm4b:s2+s23] =	stream.linear.scatter [tilespmem:s16], [sflag:$0x4], $0xE000, $0x38;
	[tilespmem:$0x1EC00] =	vst v63  }
0x2cf: {  	_ =	swait.ge [sflag:s30], $0x1900  }
0x2d0: {  	[sflag:s30] =	ssyncset.done $0x0  }
0x2d1: {  	s2 =	simm.s32 $0x1D038;
	[sflag:s30] =	ssyncadd.s32 $0xFFFFE700  }
0x2d2: {  	v5 =	vld [tilespmem:s2+$0xFFFFFFE0]  }
0x2d3: {  	s26 =	sand.u32 $0x7, s23  }
0x2d4: {  	s7 =	sshll.u32 s26, $0x7  }
0x2d5: {  	s7 =	sadd.s32 $0x0, s7  }
0x2d6: {  	s14 =	sor.u32 $0x1C00, s7  }
0x2d7: {  	[tilespmem:s14+$0xF000] =	vst v5  }
0x2d8: {  	v5 =	vld [tilespmem:s2+$0xFFFFFFF0];
	_ =	sdelay $0x3  }
0x2d9: {  	s25 =	sor.u32 $0x1C10, s7  }
0x2da: {  	[tilespmem:s25+$0xF000] =	vst v5  }
0x2db: {  	v5 =	vld [tilespmem:s2+$0x0];
	_ =	sdelay $0x3  }
0x2dc: {  	s26 =	sor.u32 $0x1C20, s7  }
0x2dd: {  	[tilespmem:s26+$0xF000] =	vst v5  }
0x2de: {  	v5 =	vld [tilespmem:s2+$0x10];
	_ =	sdelay $0x3  }
0x2df: {  	s14 =	sor.u32 $0x1C30, s7  }
0x2e0: {  	[tilespmem:s14+$0xF000] =	vst v5  }
0x2e1: {  	v5 =	vld [tilespmem:s2+$0x20];
	_ =	sdelay $0x3  }
0x2e2: {  	s25 =	sor.u32 $0x1C40, s7  }
0x2e3: {  	[tilespmem:s25+$0xF000] =	vst v5;
	v5 =	vmov s23  }
0x2e4: {  	v6 =	vld [tilespmem:s2+$0x30];
	v7 =	vshll.u32 v5, $0x7  }
0x2e5: {  	v63 =	vor.u32 v3, v7;
	_ =	sdelay $0x2  }
0x2e6: {  	s26 =	sor.u32 $0x1C50, s7;
	v5 =	vshll.u32 v5, $0xA;
	v7 =	vand.u32 $0x380, v7  }
0x2e7: {  	v5 =	vor.u32 v7, v5;
	[tilespmem:s26+$0xF000] =	vst v6  }
0x2e8: {  	v5 =	vor.u32 v4, v5;
	v6 =	vld.idx.msk [tilespmem:v63+s29+$0x0], $0xffff;
	_ =	sdelay $0x4  }
0x2e9: {  	s24 =	simm.s32 $0x1D0B8;
	[tilespmem:v5+s0+$0x0] =	vst.idx.msk $0xffff, v6  }
0x2ea: {  	s25 =	simm.s32 $0x1;
	s2 =	simm.s32 $0x2;
	s26 =	simm.s32 $0x1;
	v5 =	vld [tilespmem:s24+$0xFFFFFFE0]  }
.LBB2_5:
0x2eb: {  	p0 =	sne.s32 s2, $0x31;
	s7 =	sand.u32 $0x7, s26  }
0x2ec: {  	s23 =	sadd.s32 $0x400, s23;
	s7 =	sshll.u32 s7, $0x7  }
0x2ed: {  	s7 =	sadd.s32 s7, s23  }
0x2ee: {  	s14 =	sor.u32 $0x1C00, s7  }
0x2ef: {  	[tilespmem:s14+$0xF000] =	vst v5  }
0x2f0: {  	v5 =	vld [tilespmem:s24+$0xFFFFFFF0];
	_ =	sdelay $0x3  }
0x2f1: {  	s14 =	sor.u32 $0x1C10, s7  }
0x2f2: {  	[tilespmem:s14+$0xF000] =	vst v5  }
0x2f3: {  	v5 =	vld [tilespmem:s24+$0x0];
	_ =	sdelay $0x3  }
0x2f4: {  	s14 =	sor.u32 $0x1C20, s7  }
0x2f5: {  	[tilespmem:s14+$0xF000] =	vst v5  }
0x2f6: {  	v5 =	vld [tilespmem:s24+$0x10];
	_ =	sdelay $0x3  }
0x2f7: {  	s14 =	sor.u32 $0x1C30, s7  }
0x2f8: {  	[tilespmem:s14+$0xF000] =	vst v5  }
0x2f9: {  	v5 =	vld [tilespmem:s24+$0x20];
	_ =	sdelay $0x3  }
0x2fa: {  	s14 =	sor.u32 $0x1C40, s7  }
0x2fb: {  	[tilespmem:s14+$0xF000] =	vst v5;
	v5 =	vmov s25;
	s25 =	smov.u32 s2  }
0x2fc: {  	v6 =	vld [tilespmem:s24+$0x30];
	v7 =	vshll.u32 v5, $0x7  }
0x2fd: {  	v8 =	vor.u32 v3, v7;
	_ =	sdelay $0x2  }
0x2fe: {  	s7 =	sor.u32 $0x1C50, s7  }
0x2ff: {  	v5 =	vshll.u32 v5, $0xA;
	[tilespmem:s7+$0xF000] =	vst v6;
	v6 =	vand.u32 $0x380, v7  }
0x300: {  	v7 =	vld.idx.msk [tilespmem:v8+s29+$0x0], $0xffff;
	v5 =	vor.u32 v6, v5  }
0x301: {  	v5 =	vor.u32 v4, v5;
	_ =	sdelay $0x1  }
.Ltmp5:
0x302: {  	(pc) =	sbr.rel @p0 .LBB2_5-.Ltmp5, $3  }
0x303: {  	_ =	sdelay $0x1  }
0x304: {  	s24 =	sadd.s32 $0x80, s24;
	[tilespmem:v5+s0+$0x0] =	vst.idx.msk $0xffff, v7  }
0x305: {  	s26 =	sadd.s32 $0x1, s26;
	s2 =	sadd.s32 $0x1, s2;
	v5 =	vld [tilespmem:s24+$0xFFFFFFE0]  }
0x306: {  	s2 =	sand.u32 $0x7, s26  }
0x307: {  	s7 =	sadd.s32 $0x400, s23;
	s2 =	sshll.u32 s2, $0x7  }
0x308: {  	s2 =	sadd.s32 s2, s7  }
0x309: {  	s7 =	sor.u32 $0x1C00, s2  }
0x30a: {  	[tilespmem:s7+$0xF000] =	vst v5  }
0x30b: {  	v5 =	vld [tilespmem:s24+$0xFFFFFFF0];
	_ =	sdelay $0x3  }
0x30c: {  	s26 =	sor.u32 $0x1C10, s2  }
0x30d: {  	[tilespmem:s26+$0xF000] =	vst v5  }
0x30e: {  	v5 =	vld [tilespmem:s24+$0x0];
	_ =	sdelay $0x3  }
0x30f: {  	s14 =	sor.u32 $0x1C20, s2  }
0x310: {  	[tilespmem:s14+$0xF000] =	vst v5  }
0x311: {  	v5 =	vld [tilespmem:s24+$0x10];
	_ =	sdelay $0x3  }
0x312: {  	s23 =	sor.u32 $0x1C30, s2  }
0x313: {  	[tilespmem:s23+$0xF000] =	vst v5  }
0x314: {  	v5 =	vld [tilespmem:s24+$0x20];
	_ =	sdelay $0x3  }
0x315: {  	s26 =	sor.u32 $0x1C40, s2  }
0x316: {  	[tilespmem:s26+$0xF000] =	vst v5;
	v5 =	vmov s25  }
0x317: {  	v6 =	vld [tilespmem:s24+$0x30];
	v7 =	vshll.u32 v5, $0x7  }
0x318: {  	v8 =	vor.u32 v3, v7;
	_ =	sdelay $0x2  }
0x319: {  	s2 =	sor.u32 $0x1C50, s2;
	v5 =	vshll.u32 v5, $0xA;
	v7 =	vand.u32 $0x380, v7  }
0x31a: {  	v5 =	vor.u32 v7, v5;
	[tilespmem:s2+$0xF000] =	vst v6  }
0x31b: {  	v5 =	vor.u32 v4, v5;
	v6 =	vld.idx.msk [tilespmem:v8+s29+$0x0], $0xffff;
	_ =	sdelay $0x4  }
0x31c: {  	[tilespmem:v5+s0+$0x0] =	vst.idx.msk $0xffff, v6  }
0x31d: {  	_ =	swait.ge [sflag:s19], $0x1900  }
0x31e: {  	[sflag:s19] =	ssyncset.done $0x0  }
0x31f: {  	[sflag:s19] =	ssyncadd.s32 $0xFFFFE700  }
0x320: {  	_ =	swait.ge [sflag:s19], $0x1900  }
0x321: {  	[sflag:s19] =	ssyncset.done $0x0  }
0x322: {  	[sflag:s19] =	ssyncadd.s32 $0xFFFFE700  }
0x323: {  	_ =	swait.ge [sflag:s19], $0x1900  }
0x324: {  	[sflag:s19] =	ssyncset.done $0x0  }
0x325: {  	[sflag:s19] =	ssyncadd.s32 $0xFFFFE700  }
0x326: {  	_ =	swait.ge [sflag:s19], $0x1900  }
0x327: {  	[sflag:s19] =	ssyncset.done $0x0  }
0x328: {  	[sflag:s19] =	ssyncadd.s32 $0xFFFFE700  }
0x329: {  	_ =	swait.ge [sflag:s19], $0x1900  }
0x32a: {  	[sflag:s19] =	ssyncset.done $0x0  }
0x32b: {  	[sflag:s19] =	ssyncadd.s32 $0xFFFFE700  }
0x32c: {  	_ =	swait.ge [sflag:s19], $0x1900  }
0x32d: {  	[sflag:s19] =	ssyncset.done $0x0  }
0x32e: {  	[sflag:s19] =	ssyncadd.s32 $0xFFFFE700  }
0x32f: {  	p0 =	seq.s32 s21, $0xF;
	_ =	swait.ge [sflag:s19], $0x1900  }
.Ltmp6:
0x330: {  	[sflag:s19] =	ssyncset.done $0x0;
	(pc) =	sbr.rel @p0 .LBB2_8-.Ltmp6, $4  }
0x331: {  	[sflag:s19] =	ssyncadd.s32 $0xFFFFE700  }
0x332: {  	_ =	swait.ge [sflag:s20], $0xE000  }
0x333: {  	[sflag:s20] =	ssyncset.done $0x0  }
0x334: {  	[sflag:s20] =	ssyncadd.s32 $0xFFFF2000  }
0x335: {  	s2 =	sshll.u32 s21, $0x8  }
0x336: {  	s23 =	sand.u32 $0x3FFFFF00, s2  }
0x337: {  	v5 =	vld [tilespmem:s23+$0x100];
	_ =	sdelay $0x4  }
0x338: {  	v6 =	vshll.u32 v5, $0x3  }
0x339: {  	v5 =	vand.u32 $0x7, v5;
	v6 =	vand.u32 $0xFFFFFFC0, v6  }
0x33a: {  	v5 =	vor.u32 v5, v6  }
0x33b: {  	v6 =	vperm.xlane v5, v0;
	_ =	sdelay $0x1  }
0x33c: {  	v5 =	vperm.xlane v5, v2;
	v6 =	vadd.s32 v1, v6;
	_ =	sdelay $0x1  }
0x33d: {  	v5 =	vadd.s32 v1, v5;
	_ =	sdelay $0x2  }
0x33e: {  	[tilespmem:s16], [sflag:$0x1] =	stream.indirect_vreg.gather [hbm4b:s1+s3], $0x80, v6, vm0, $0xb8;
	[tilespmem:$0x1EC00] =	vst v63  }
0x33f: {  	s14 =	simm.s32 $0x3000  }
0x340: {  	[tilespmem:s14], [sflag:$0x1] =	stream.indirect_vreg.gather [hbm4b:s1+s3], $0x80, v5, vm0, $0xb8;
	[tilespmem:$0x1EC00] =	vst v63  }
0x341: {  	v5 =	vld [tilespmem:s23+$0x110];
	_ =	sdelay $0x4  }
0x342: {  	v6 =	vshll.u32 v5, $0x3  }
0x343: {  	v5 =	vand.u32 $0x7, v5;
	v6 =	vand.u32 $0xFFFFFFC0, v6  }
0x344: {  	v5 =	vor.u32 v5, v6  }
0x345: {  	v6 =	vperm.xlane v5, v0;
	_ =	sdelay $0x1  }
0x346: {  	v5 =	vperm.xlane v5, v2;
	v6 =	vadd.s32 v1, v6;
	_ =	sdelay $0x1  }
0x347: {  	v5 =	vadd.s32 v1, v5;
	_ =	sdelay $0x1  }
0x348: {  	s24 =	simm.s32 $0x5000  }
0x349: {  	[tilespmem:s24], [sflag:$0x1] =	stream.indirect_vreg.gather [hbm4b:s1+s3], $0x80, v6, vm0, $0xb8;
	[tilespmem:$0x1EC00] =	vst v63  }
0x34a: {  	s25 =	simm.s32 $0x7000  }
0x34b: {  	[tilespmem:s25], [sflag:$0x1] =	stream.indirect_vreg.gather [hbm4b:s1+s3], $0x80, v5, vm0, $0xb8;
	[tilespmem:$0x1EC00] =	vst v63  }
0x34c: {  	v5 =	vld [tilespmem:s23+$0x120];
	_ =	sdelay $0x4  }
0x34d: {  	v6 =	vshll.u32 v5, $0x3  }
0x34e: {  	v5 =	vand.u32 $0x7, v5;
	v6 =	vand.u32 $0xFFFFFFC0, v6  }
0x34f: {  	v5 =	vor.u32 v5, v6  }
0x350: {  	v6 =	vperm.xlane v5, v0;
	_ =	sdelay $0x1  }
0x351: {  	v5 =	vperm.xlane v5, v2;
	v6 =	vadd.s32 v1, v6;
	_ =	sdelay $0x1  }
0x352: {  	v5 =	vadd.s32 v1, v5;
	_ =	sdelay $0x1  }
0x353: {  	s26 =	simm.s32 $0x9000  }
0x354: {  	[tilespmem:s26], [sflag:$0x1] =	stream.indirect_vreg.gather [hbm4b:s1+s3], $0x80, v6, vm0, $0xb8;
	[tilespmem:$0x1EC00] =	vst v63  }
0x355: {  	s7 =	simm.s32 $0xB000  }
0x356: {  	[tilespmem:s7], [sflag:$0x1] =	stream.indirect_vreg.gather [hbm4b:s1+s3], $0x80, v5, vm0, $0xb8;
	[tilespmem:$0x1EC00] =	vst v63  }
0x357: {  	v5 =	vld.msk [tilespmem:s23+$0x130], $0x3;
	_ =	sdelay $0x4  }
0x358: {  	v6 =	vshll.u32 v5, $0x3  }
0x359: {  	v5 =	vand.u32 $0x7, v5;
	v6 =	vand.u32 $0xFFFFFFC0, v6  }
0x35a: {  	v5 =	vor.u32 v5, v6  }
0x35b: {  	v5 =	vperm.xlane v5, v0;
	_ =	sdelay $0x1  }
0x35c: {  	v5 =	vadd.s32 v1, v5;
	_ =	sdelay $0x3  }
0x35d: {  	s14 =	simm.s32 $0xD000  }
0x35e: {  	[tilespmem:s14], [sflag:$0x1] =	stream.indirect_vreg.gather [hbm4b:s1+s3], $0x80, v5, vm1, $0xb8;
	[tilespmem:$0x1EC00] =	vst v63  }
0x35f: {  	v5 =	vld [tilespmem:s23+$0x100];
	_ =	sdelay $0x4  }
0x360: {  	v6 =	vshll.u32 v5, $0x3  }
0x361: {  	v5 =	vand.u32 $0x7, v5;
	v6 =	vand.u32 $0xFFFFFFC0, v6  }
0x362: {  	v5 =	vor.u32 v5, v6  }
0x363: {  	v6 =	vperm.xlane v5, v0;
	_ =	sdelay $0x1  }
0x364: {  	v5 =	vperm.xlane v5, v2;
	v6 =	vadd.s32 v1, v6;
	_ =	sdelay $0x1  }
0x365: {  	v5 =	vadd.s32 v1, v5;
	_ =	sdelay $0x1  }
0x366: {  	s24 =	simm.s32 $0x1400  }
0x367: {  	[tilespmem:s24], [sflag:$0x1] =	stream.indirect_vreg.gather [hbm4b:s8+s3], $0x80, v6, vm0, $0xb8;
	[tilespmem:$0x1EC00] =	vst v63  }
0x368: {  	s25 =	simm.s32 $0x3400  }
0x369: {  	[tilespmem:s25], [sflag:$0x1] =	stream.indirect_vreg.gather [hbm4b:s8+s3], $0x80, v5, vm0, $0xb8;
	[tilespmem:$0x1EC00] =	vst v63  }
0x36a: {  	v5 =	vld [tilespmem:s23+$0x110];
	_ =	sdelay $0x4  }
0x36b: {  	v6 =	vshll.u32 v5, $0x3  }
0x36c: {  	v5 =	vand.u32 $0x7, v5;
	v6 =	vand.u32 $0xFFFFFFC0, v6  }
0x36d: {  	v5 =	vor.u32 v5, v6  }
0x36e: {  	v6 =	vperm.xlane v5, v0;
	_ =	sdelay $0x1  }
0x36f: {  	v5 =	vperm.xlane v5, v2;
	v6 =	vadd.s32 v1, v6;
	_ =	sdelay $0x1  }
0x370: {  	v5 =	vadd.s32 v1, v5;
	_ =	sdelay $0x1  }
0x371: {  	s26 =	simm.s32 $0x5400  }
0x372: {  	[tilespmem:s26], [sflag:$0x1] =	stream.indirect_vreg.gather [hbm4b:s8+s3], $0x80, v6, vm0, $0xb8;
	[tilespmem:$0x1EC00] =	vst v63  }
0x373: {  	s7 =	simm.s32 $0x7400  }
0x374: {  	[tilespmem:s7], [sflag:$0x1] =	stream.indirect_vreg.gather [hbm4b:s8+s3], $0x80, v5, vm0, $0xb8;
	[tilespmem:$0x1EC00] =	vst v63  }
0x375: {  	v5 =	vld [tilespmem:s23+$0x120];
	_ =	sdelay $0x4  }
0x376: {  	v6 =	vshll.u32 v5, $0x3  }
0x377: {  	v5 =	vand.u32 $0x7, v5;
	v6 =	vand.u32 $0xFFFFFFC0, v6  }
0x378: {  	v5 =	vor.u32 v5, v6  }
0x379: {  	v6 =	vperm.xlane v5, v0;
	_ =	sdelay $0x1  }
0x37a: {  	v5 =	vperm.xlane v5, v2;
	v6 =	vadd.s32 v1, v6;
	_ =	sdelay $0x1  }
0x37b: {  	v5 =	vadd.s32 v1, v5;
	_ =	sdelay $0x1  }
0x37c: {  	s14 =	simm.s32 $0x9400  }
0x37d: {  	[tilespmem:s14], [sflag:$0x1] =	stream.indirect_vreg.gather [hbm4b:s8+s3], $0x80, v6, vm0, $0xb8;
	[tilespmem:$0x1EC00] =	vst v63  }
0x37e: {  	s24 =	simm.s32 $0xB400  }
0x37f: {  	[tilespmem:s24], [sflag:$0x1] =	stream.indirect_vreg.gather [hbm4b:s8+s3], $0x80, v5, vm0, $0xb8;
	[tilespmem:$0x1EC00] =	vst v63  }
0x380: {  	v5 =	vld.msk [tilespmem:s23+$0x130], $0x3;
	_ =	sdelay $0x4  }
0x381: {  	v6 =	vshll.u32 v5, $0x3  }
0x382: {  	v5 =	vand.u32 $0x7, v5;
	v6 =	vand.u32 $0xFFFFFFC0, v6  }
0x383: {  	v5 =	vor.u32 v5, v6  }
0x384: {  	v5 =	vperm.xlane v5, v0;
	_ =	sdelay $0x1  }
0x385: {  	v5 =	vadd.s32 v1, v5;
	_ =	sdelay $0x3  }
0x386: {  	s25 =	simm.s32 $0xD400  }
0x387: {  	[tilespmem:s25], [sflag:$0x1] =	stream.indirect_vreg.gather [hbm4b:s8+s3], $0x80, v5, vm1, $0xb8;
	[tilespmem:$0x1EC00] =	vst v63  }
0x388: {  	v5 =	vld [tilespmem:s23+$0x100];
	_ =	sdelay $0x4  }
0x389: {  	v6 =	vshll.u32 v5, $0x3  }
0x38a: {  	v5 =	vand.u32 $0x7, v5;
	v6 =	vand.u32 $0xFFFFFFC0, v6  }
0x38b: {  	v5 =	vor.u32 v5, v6  }
0x38c: {  	v6 =	vperm.xlane v5, v0;
	_ =	sdelay $0x1  }
0x38d: {  	v5 =	vperm.xlane v5, v2;
	v6 =	vadd.s32 v1, v6;
	_ =	sdelay $0x1  }
0x38e: {  	v5 =	vadd.s32 v1, v5;
	_ =	sdelay $0x1  }
0x38f: {  	s26 =	simm.s32 $0x1800  }
0x390: {  	[tilespmem:s26], [sflag:$0x1] =	stream.indirect_vreg.gather [hbm4b:s9+s3], $0x80, v6, vm0, $0xb8;
	[tilespmem:$0x1EC00] =	vst v63  }
0x391: {  	s7 =	simm.s32 $0x3800  }
0x392: {  	[tilespmem:s7], [sflag:$0x1] =	stream.indirect_vreg.gather [hbm4b:s9+s3], $0x80, v5, vm0, $0xb8;
	[tilespmem:$0x1EC00] =	vst v63  }
0x393: {  	v5 =	vld [tilespmem:s23+$0x110];
	_ =	sdelay $0x4  }
0x394: {  	v6 =	vshll.u32 v5, $0x3  }
0x395: {  	v5 =	vand.u32 $0x7, v5;
	v6 =	vand.u32 $0xFFFFFFC0, v6  }
0x396: {  	v5 =	vor.u32 v5, v6  }
0x397: {  	v6 =	vperm.xlane v5, v0;
	_ =	sdelay $0x1  }
0x398: {  	v5 =	vperm.xlane v5, v2;
	v6 =	vadd.s32 v1, v6;
	_ =	sdelay $0x1  }
0x399: {  	v5 =	vadd.s32 v1, v5;
	_ =	sdelay $0x1  }
0x39a: {  	s14 =	simm.s32 $0x5800  }
0x39b: {  	[tilespmem:s14], [sflag:$0x1] =	stream.indirect_vreg.gather [hbm4b:s9+s3], $0x80, v6, vm0, $0xb8;
	[tilespmem:$0x1EC00] =	vst v63  }
0x39c: {  	s24 =	simm.s32 $0x7800  }
0x39d: {  	[tilespmem:s24], [sflag:$0x1] =	stream.indirect_vreg.gather [hbm4b:s9+s3], $0x80, v5, vm0, $0xb8;
	[tilespmem:$0x1EC00] =	vst v63  }
0x39e: {  	v5 =	vld [tilespmem:s23+$0x120];
	_ =	sdelay $0x4  }
0x39f: {  	v6 =	vshll.u32 v5, $0x3  }
0x3a0: {  	v5 =	vand.u32 $0x7, v5;
	v6 =	vand.u32 $0xFFFFFFC0, v6  }
0x3a1: {  	v5 =	vor.u32 v5, v6  }
0x3a2: {  	v6 =	vperm.xlane v5, v0;
	_ =	sdelay $0x1  }
0x3a3: {  	v5 =	vperm.xlane v5, v2;
	v6 =	vadd.s32 v1, v6;
	_ =	sdelay $0x1  }
0x3a4: {  	v5 =	vadd.s32 v1, v5;
	_ =	sdelay $0x1  }
0x3a5: {  	s25 =	simm.s32 $0x9800  }
0x3a6: {  	[tilespmem:s25], [sflag:$0x1] =	stream.indirect_vreg.gather [hbm4b:s9+s3], $0x80, v6, vm0, $0xb8;
	[tilespmem:$0x1EC00] =	vst v63  }
0x3a7: {  	s26 =	simm.s32 $0xB800  }
0x3a8: {  	[tilespmem:s26], [sflag:$0x1] =	stream.indirect_vreg.gather [hbm4b:s9+s3], $0x80, v5, vm0, $0xb8;
	[tilespmem:$0x1EC00] =	vst v63  }
0x3a9: {  	v5 =	vld.msk [tilespmem:s23+$0x130], $0x3;
	_ =	sdelay $0x4  }
0x3aa: {  	v6 =	vshll.u32 v5, $0x3  }
0x3ab: {  	v5 =	vand.u32 $0x7, v5;
	v6 =	vand.u32 $0xFFFFFFC0, v6  }
0x3ac: {  	v5 =	vor.u32 v5, v6  }
0x3ad: {  	v5 =	vperm.xlane v5, v0;
	_ =	sdelay $0x1  }
0x3ae: {  	v5 =	vadd.s32 v1, v5;
	_ =	sdelay $0x3  }
0x3af: {  	s7 =	simm.s32 $0xD800  }
0x3b0: {  	[tilespmem:s7], [sflag:$0x1] =	stream.indirect_vreg.gather [hbm4b:s9+s3], $0x80, v5, vm1, $0xb8;
	[tilespmem:$0x1EC00] =	vst v63  }
0x3b1: {  	v5 =	vld [tilespmem:s23+$0x100];
	_ =	sdelay $0x4  }
0x3b2: {  	v6 =	vshll.u32 v5, $0x3  }
0x3b3: {  	v5 =	vand.u32 $0x7, v5;
	v6 =	vand.u32 $0xFFFFFFC0, v6  }
0x3b4: {  	v5 =	vor.u32 v5, v6  }
0x3b5: {  	v6 =	vperm.xlane v5, v0;
	_ =	sdelay $0x1  }
0x3b6: {  	v5 =	vperm.xlane v5, v2;
	v6 =	vadd.s32 v1, v6;
	_ =	sdelay $0x1  }
0x3b7: {  	v5 =	vadd.s32 v1, v5;
	_ =	sdelay $0x1  }
0x3b8: {  	s14 =	simm.s32 $0x1C00  }
0x3b9: {  	[tilespmem:s14], [sflag:$0x1] =	stream.indirect_vreg.gather [hbm4b:s10+s3], $0x80, v6, vm0, $0xb8;
	[tilespmem:$0x1EC00] =	vst v63  }
0x3ba: {  	s24 =	simm.s32 $0x3C00  }
0x3bb: {  	[tilespmem:s24], [sflag:$0x1] =	stream.indirect_vreg.gather [hbm4b:s10+s3], $0x80, v5, vm0, $0xb8;
	[tilespmem:$0x1EC00] =	vst v63  }
0x3bc: {  	v5 =	vld [tilespmem:s23+$0x110];
	_ =	sdelay $0x4  }
0x3bd: {  	v6 =	vshll.u32 v5, $0x3  }
0x3be: {  	v5 =	vand.u32 $0x7, v5;
	v6 =	vand.u32 $0xFFFFFFC0, v6  }
0x3bf: {  	v5 =	vor.u32 v5, v6  }
0x3c0: {  	v6 =	vperm.xlane v5, v0;
	_ =	sdelay $0x1  }
0x3c1: {  	v5 =	vperm.xlane v5, v2;
	v6 =	vadd.s32 v1, v6;
	_ =	sdelay $0x1  }
0x3c2: {  	v5 =	vadd.s32 v1, v5;
	_ =	sdelay $0x1  }
0x3c3: {  	s25 =	simm.s32 $0x5C00  }
0x3c4: {  	[tilespmem:s25], [sflag:$0x1] =	stream.indirect_vreg.gather [hbm4b:s10+s3], $0x80, v6, vm0, $0xb8;
	[tilespmem:$0x1EC00] =	vst v63  }
0x3c5: {  	s26 =	simm.s32 $0x7C00  }
0x3c6: {  	[tilespmem:s26], [sflag:$0x1] =	stream.indirect_vreg.gather [hbm4b:s10+s3], $0x80, v5, vm0, $0xb8;
	[tilespmem:$0x1EC00] =	vst v63  }
0x3c7: {  	v5 =	vld [tilespmem:s23+$0x120];
	_ =	sdelay $0x4  }
0x3c8: {  	v6 =	vshll.u32 v5, $0x3  }
0x3c9: {  	v5 =	vand.u32 $0x7, v5;
	v6 =	vand.u32 $0xFFFFFFC0, v6  }
0x3ca: {  	v5 =	vor.u32 v5, v6  }
0x3cb: {  	v6 =	vperm.xlane v5, v0;
	_ =	sdelay $0x1  }
0x3cc: {  	v5 =	vperm.xlane v5, v2;
	v6 =	vadd.s32 v1, v6;
	_ =	sdelay $0x1  }
0x3cd: {  	v5 =	vadd.s32 v1, v5;
	_ =	sdelay $0x1  }
0x3ce: {  	s7 =	simm.s32 $0x9C00  }
0x3cf: {  	[tilespmem:s7], [sflag:$0x1] =	stream.indirect_vreg.gather [hbm4b:s10+s3], $0x80, v6, vm0, $0xb8;
	[tilespmem:$0x1EC00] =	vst v63  }
0x3d0: {  	s14 =	simm.s32 $0xBC00  }
0x3d1: {  	[tilespmem:s14], [sflag:$0x1] =	stream.indirect_vreg.gather [hbm4b:s10+s3], $0x80, v5, vm0, $0xb8;
	[tilespmem:$0x1EC00] =	vst v63  }
0x3d2: {  	v5 =	vld.msk [tilespmem:s23+$0x130], $0x3;
	_ =	sdelay $0x4  }
0x3d3: {  	v6 =	vshll.u32 v5, $0x3  }
0x3d4: {  	v5 =	vand.u32 $0x7, v5;
	v6 =	vand.u32 $0xFFFFFFC0, v6  }
0x3d5: {  	v5 =	vor.u32 v5, v6  }
0x3d6: {  	v5 =	vperm.xlane v5, v0;
	_ =	sdelay $0x1  }
0x3d7: {  	v5 =	vadd.s32 v1, v5;
	_ =	sdelay $0x3  }
0x3d8: {  	s24 =	simm.s32 $0xDC00  }
0x3d9: {  	[tilespmem:s24], [sflag:$0x1] =	stream.indirect_vreg.gather [hbm4b:s10+s3], $0x80, v5, vm1, $0xb8;
	[tilespmem:$0x1EC00] =	vst v63  }
0x3da: {  	v5 =	vld [tilespmem:s23+$0x100];
	_ =	sdelay $0x4  }
0x3db: {  	v6 =	vshll.u32 v5, $0x3  }
0x3dc: {  	v5 =	vand.u32 $0x7, v5;
	v6 =	vand.u32 $0xFFFFFFC0, v6  }
0x3dd: {  	v5 =	vor.u32 v5, v6  }
0x3de: {  	v6 =	vperm.xlane v5, v0;
	_ =	sdelay $0x1  }
0x3df: {  	v5 =	vperm.xlane v5, v2;
	v6 =	vadd.s32 v1, v6;
	_ =	sdelay $0x1  }
0x3e0: {  	v5 =	vadd.s32 v1, v5;
	_ =	sdelay $0x1  }
0x3e1: {  	s25 =	simm.s32 $0x2000  }
0x3e2: {  	[tilespmem:s25], [sflag:$0x1] =	stream.indirect_vreg.gather [hbm4b:s11+s3], $0x80, v6, vm0, $0xb8;
	[tilespmem:$0x1EC00] =	vst v63  }
0x3e3: {  	s26 =	simm.s32 $0x4000  }
0x3e4: {  	[tilespmem:s26], [sflag:$0x1] =	stream.indirect_vreg.gather [hbm4b:s11+s3], $0x80, v5, vm0, $0xb8;
	[tilespmem:$0x1EC00] =	vst v63  }
0x3e5: {  	v5 =	vld [tilespmem:s23+$0x110];
	_ =	sdelay $0x4  }
0x3e6: {  	v6 =	vshll.u32 v5, $0x3  }
0x3e7: {  	v5 =	vand.u32 $0x7, v5;
	v6 =	vand.u32 $0xFFFFFFC0, v6  }
0x3e8: {  	v5 =	vor.u32 v5, v6  }
0x3e9: {  	v6 =	vperm.xlane v5, v0;
	_ =	sdelay $0x1  }
0x3ea: {  	v5 =	vperm.xlane v5, v2;
	v6 =	vadd.s32 v1, v6;
	_ =	sdelay $0x1  }
0x3eb: {  	v5 =	vadd.s32 v1, v5;
	_ =	sdelay $0x1  }
0x3ec: {  	s7 =	simm.s32 $0x6000  }
0x3ed: {  	[tilespmem:s7], [sflag:$0x1] =	stream.indirect_vreg.gather [hbm4b:s11+s3], $0x80, v6, vm0, $0xb8;
	[tilespmem:$0x1EC00] =	vst v63  }
0x3ee: {  	s14 =	simm.s32 $0x8000  }
0x3ef: {  	[tilespmem:s14], [sflag:$0x1] =	stream.indirect_vreg.gather [hbm4b:s11+s3], $0x80, v5, vm0, $0xb8;
	[tilespmem:$0x1EC00] =	vst v63  }
0x3f0: {  	v5 =	vld [tilespmem:s23+$0x120];
	_ =	sdelay $0x4  }
0x3f1: {  	v6 =	vshll.u32 v5, $0x3  }
0x3f2: {  	v5 =	vand.u32 $0x7, v5;
	v6 =	vand.u32 $0xFFFFFFC0, v6  }
0x3f3: {  	v5 =	vor.u32 v5, v6  }
0x3f4: {  	v6 =	vperm.xlane v5, v0;
	_ =	sdelay $0x1  }
0x3f5: {  	v5 =	vperm.xlane v5, v2;
	v6 =	vadd.s32 v1, v6;
	_ =	sdelay $0x1  }
0x3f6: {  	v5 =	vadd.s32 v1, v5;
	_ =	sdelay $0x1  }
0x3f7: {  	s24 =	simm.s32 $0xA000  }
0x3f8: {  	[tilespmem:s24], [sflag:$0x1] =	stream.indirect_vreg.gather [hbm4b:s11+s3], $0x80, v6, vm0, $0xb8;
	[tilespmem:$0x1EC00] =	vst v63  }
0x3f9: {  	s25 =	simm.s32 $0xC000  }
0x3fa: {  	[tilespmem:s25], [sflag:$0x1] =	stream.indirect_vreg.gather [hbm4b:s11+s3], $0x80, v5, vm0, $0xb8;
	[tilespmem:$0x1EC00] =	vst v63  }
0x3fb: {  	v5 =	vld.msk [tilespmem:s23+$0x130], $0x3;
	_ =	sdelay $0x4  }
0x3fc: {  	v6 =	vshll.u32 v5, $0x3  }
0x3fd: {  	v5 =	vand.u32 $0x7, v5;
	v6 =	vand.u32 $0xFFFFFFC0, v6  }
0x3fe: {  	v5 =	vor.u32 v5, v6  }
0x3ff: {  	v5 =	vperm.xlane v5, v0;
	_ =	sdelay $0x1  }
0x400: {  	v5 =	vadd.s32 v1, v5;
	_ =	sdelay $0x3  }
0x401: {  	s26 =	simm.s32 $0xE000  }
0x402: {  	[tilespmem:s26], [sflag:$0x1] =	stream.indirect_vreg.gather [hbm4b:s11+s3], $0x80, v5, vm1, $0xb8;
	[tilespmem:$0x1EC00] =	vst v63  }
0x403: {  	v5 =	vld [tilespmem:s23+$0x100];
	_ =	sdelay $0x4  }
0x404: {  	v6 =	vshll.u32 v5, $0x3  }
0x405: {  	v5 =	vand.u32 $0x7, v5;
	v6 =	vand.u32 $0xFFFFFFC0, v6  }
0x406: {  	v5 =	vor.u32 v5, v6  }
0x407: {  	v6 =	vperm.xlane v5, v0;
	_ =	sdelay $0x1  }
0x408: {  	v5 =	vperm.xlane v5, v2;
	v6 =	vadd.s32 v1, v6;
	_ =	sdelay $0x1  }
0x409: {  	v5 =	vadd.s32 v1, v5;
	_ =	sdelay $0x1  }
0x40a: {  	s7 =	simm.s32 $0x2400  }
0x40b: {  	[tilespmem:s7], [sflag:$0x1] =	stream.indirect_vreg.gather [hbm4b:s12+s3], $0x80, v6, vm0, $0xb8;
	[tilespmem:$0x1EC00] =	vst v63  }
0x40c: {  	s14 =	simm.s32 $0x4400  }
0x40d: {  	[tilespmem:s14], [sflag:$0x1] =	stream.indirect_vreg.gather [hbm4b:s12+s3], $0x80, v5, vm0, $0xb8;
	[tilespmem:$0x1EC00] =	vst v63  }
0x40e: {  	v5 =	vld [tilespmem:s23+$0x110];
	_ =	sdelay $0x4  }
0x40f: {  	v6 =	vshll.u32 v5, $0x3  }
0x410: {  	v5 =	vand.u32 $0x7, v5;
	v6 =	vand.u32 $0xFFFFFFC0, v6  }
0x411: {  	v5 =	vor.u32 v5, v6  }
0x412: {  	v6 =	vperm.xlane v5, v0;
	_ =	sdelay $0x1  }
0x413: {  	v5 =	vperm.xlane v5, v2;
	v6 =	vadd.s32 v1, v6;
	_ =	sdelay $0x1  }
0x414: {  	v5 =	vadd.s32 v1, v5;
	_ =	sdelay $0x1  }
0x415: {  	s24 =	simm.s32 $0x6400  }
0x416: {  	[tilespmem:s24], [sflag:$0x1] =	stream.indirect_vreg.gather [hbm4b:s12+s3], $0x80, v6, vm0, $0xb8;
	[tilespmem:$0x1EC00] =	vst v63  }
0x417: {  	s25 =	simm.s32 $0x8400  }
0x418: {  	[tilespmem:s25], [sflag:$0x1] =	stream.indirect_vreg.gather [hbm4b:s12+s3], $0x80, v5, vm0, $0xb8;
	[tilespmem:$0x1EC00] =	vst v63  }
0x419: {  	v5 =	vld [tilespmem:s23+$0x120];
	_ =	sdelay $0x4  }
0x41a: {  	v6 =	vshll.u32 v5, $0x3  }
0x41b: {  	v5 =	vand.u32 $0x7, v5;
	v6 =	vand.u32 $0xFFFFFFC0, v6  }
0x41c: {  	v5 =	vor.u32 v5, v6  }
0x41d: {  	v6 =	vperm.xlane v5, v0;
	_ =	sdelay $0x1  }
0x41e: {  	v5 =	vperm.xlane v5, v2;
	v6 =	vadd.s32 v1, v6;
	_ =	sdelay $0x1  }
0x41f: {  	v5 =	vadd.s32 v1, v5;
	_ =	sdelay $0x1  }
0x420: {  	s26 =	simm.s32 $0xA400  }
0x421: {  	[tilespmem:s26], [sflag:$0x1] =	stream.indirect_vreg.gather [hbm4b:s12+s3], $0x80, v6, vm0, $0xb8;
	[tilespmem:$0x1EC00] =	vst v63  }
0x422: {  	s7 =	simm.s32 $0xC400  }
0x423: {  	[tilespmem:s7], [sflag:$0x1] =	stream.indirect_vreg.gather [hbm4b:s12+s3], $0x80, v5, vm0, $0xb8;
	[tilespmem:$0x1EC00] =	vst v63  }
0x424: {  	v5 =	vld.msk [tilespmem:s23+$0x130], $0x3;
	_ =	sdelay $0x4  }
0x425: {  	v6 =	vshll.u32 v5, $0x3  }
0x426: {  	v5 =	vand.u32 $0x7, v5;
	v6 =	vand.u32 $0xFFFFFFC0, v6  }
0x427: {  	v5 =	vor.u32 v5, v6  }
0x428: {  	v5 =	vperm.xlane v5, v0;
	_ =	sdelay $0x1  }
0x429: {  	v5 =	vadd.s32 v1, v5;
	_ =	sdelay $0x3  }
0x42a: {  	s14 =	simm.s32 $0xE400  }
0x42b: {  	[tilespmem:s14], [sflag:$0x1] =	stream.indirect_vreg.gather [hbm4b:s12+s3], $0x80, v5, vm1, $0xb8;
	[tilespmem:$0x1EC00] =	vst v63  }
0x42c: {  	v5 =	vld [tilespmem:s23+$0x100];
	_ =	sdelay $0x4  }
0x42d: {  	v6 =	vshll.u32 v5, $0x3  }
0x42e: {  	v5 =	vand.u32 $0x7, v5;
	v6 =	vand.u32 $0xFFFFFFC0, v6  }
0x42f: {  	v5 =	vor.u32 v5, v6  }
0x430: {  	v6 =	vperm.xlane v5, v0;
	_ =	sdelay $0x1  }
0x431: {  	v5 =	vperm.xlane v5, v2;
	v6 =	vadd.s32 v1, v6;
	_ =	sdelay $0x1  }
0x432: {  	v5 =	vadd.s32 v1, v5;
	_ =	sdelay $0x1  }
0x433: {  	s24 =	simm.s32 $0x2800  }
0x434: {  	[tilespmem:s24], [sflag:$0x1] =	stream.indirect_vreg.gather [hbm4b:s13+s3], $0x80, v6, vm0, $0xb8;
	[tilespmem:$0x1EC00] =	vst v63  }
0x435: {  	s25 =	simm.s32 $0x4800  }
0x436: {  	[tilespmem:s25], [sflag:$0x1] =	stream.indirect_vreg.gather [hbm4b:s13+s3], $0x80, v5, vm0, $0xb8;
	[tilespmem:$0x1EC00] =	vst v63  }
0x437: {  	v5 =	vld [tilespmem:s23+$0x110];
	_ =	sdelay $0x4  }
0x438: {  	v6 =	vshll.u32 v5, $0x3  }
0x439: {  	v5 =	vand.u32 $0x7, v5;
	v6 =	vand.u32 $0xFFFFFFC0, v6  }
0x43a: {  	v5 =	vor.u32 v5, v6  }
0x43b: {  	v6 =	vperm.xlane v5, v0;
	_ =	sdelay $0x1  }
0x43c: {  	v5 =	vperm.xlane v5, v2;
	v6 =	vadd.s32 v1, v6;
	_ =	sdelay $0x1  }
0x43d: {  	v5 =	vadd.s32 v1, v5;
	_ =	sdelay $0x1  }
0x43e: {  	s26 =	simm.s32 $0x6800  }
0x43f: {  	[tilespmem:s26], [sflag:$0x1] =	stream.indirect_vreg.gather [hbm4b:s13+s3], $0x80, v6, vm0, $0xb8;
	[tilespmem:$0x1EC00] =	vst v63  }
0x440: {  	s7 =	simm.s32 $0x8800  }
0x441: {  	[tilespmem:s7], [sflag:$0x1] =	stream.indirect_vreg.gather [hbm4b:s13+s3], $0x80, v5, vm0, $0xb8;
	[tilespmem:$0x1EC00] =	vst v63  }
0x442: {  	v5 =	vld [tilespmem:s23+$0x120];
	_ =	sdelay $0x4  }
0x443: {  	v6 =	vshll.u32 v5, $0x3  }
0x444: {  	v5 =	vand.u32 $0x7, v5;
	v6 =	vand.u32 $0xFFFFFFC0, v6  }
0x445: {  	v5 =	vor.u32 v5, v6  }
0x446: {  	v6 =	vperm.xlane v5, v0;
	_ =	sdelay $0x1  }
0x447: {  	v5 =	vperm.xlane v5, v2;
	v6 =	vadd.s32 v1, v6;
	_ =	sdelay $0x1  }
0x448: {  	v5 =	vadd.s32 v1, v5;
	_ =	sdelay $0x1  }
0x449: {  	s14 =	simm.s32 $0xA800  }
0x44a: {  	[tilespmem:s14], [sflag:$0x1] =	stream.indirect_vreg.gather [hbm4b:s13+s3], $0x80, v6, vm0, $0xb8;
	[tilespmem:$0x1EC00] =	vst v63  }
0x44b: {  	s24 =	simm.s32 $0xC800  }
0x44c: {  	[tilespmem:s24], [sflag:$0x1] =	stream.indirect_vreg.gather [hbm4b:s13+s3], $0x80, v5, vm0, $0xb8;
	[tilespmem:$0x1EC00] =	vst v63  }
0x44d: {  	v5 =	vld.msk [tilespmem:s23+$0x130], $0x3;
	_ =	sdelay $0x4  }
0x44e: {  	v6 =	vshll.u32 v5, $0x3  }
0x44f: {  	v5 =	vand.u32 $0x7, v5;
	v6 =	vand.u32 $0xFFFFFFC0, v6  }
0x450: {  	v5 =	vor.u32 v5, v6  }
0x451: {  	v5 =	vperm.xlane v5, v0;
	_ =	sdelay $0x1  }
0x452: {  	v5 =	vadd.s32 v1, v5;
	_ =	sdelay $0x2  }
.Ltmp7:
0x453: {  	_ = 	snop;
	(pc) =	sbr.rel .LBB2_8-.Ltmp7, $4  }
0x454: {  	s25 =	simm.s32 $0xE800  }
0x455: {  	[tilespmem:s25], [sflag:$0x1] =	stream.indirect_vreg.gather [hbm4b:s13+s3], $0x80, v5, vm1, $0xb8;
	[tilespmem:$0x1EC00] =	vst v63  }
0x456: {  	s26 =	sadd.s32 $0x100, s23  }
0x457: {  	[tilespmem:s29], [sflag:$0x3] =	stream.indirect.gather [hbm4b:s4+s28], $0x80, s26, s28, $0xb8;
	[tilespmem:$0x1EC00] =	vst v63  }
.LBB2_10:
0x458: {  	_ =	sfence.sel $0x180000  }
0x459: {  	[bflag:$0x0] =	sbarrier.arrive $0xFFFF  }
0x45a: {  	_ =	strace $0x90000047  }
0x45b: {  	s0 =	stileid.u32;
	[bflag:$0x2] =	sbarrier.arrive $0xFFFF  }
0x45c: {  	p0 =	sne.s32 s0, $0x0;
	s0 =	rddreg [dreg:$0x3]  }
0x45d: {  	s0 =	sadd.s32 @!p0 $0x100000, s0  }
0x45e: {  	[sflag:s0] =	ssyncadd.tile.s32 @!p0 $0x1;
	_ =	shalt  }
.Lfunc_end2:
_tile_overlayer_lowered:
.L_overlay_start_2:
0x45f: {  	(tag) =	ssettag $0x2  }
0x460: {  	s0 =	rddreg [dreg:$0x0];
	s2 =	stileid.u32  }
0x461: {  	s1 =	rddreg [dreg:$0x1];
	p0 =	sne.s32 s2, $0x0  }
0x462: {  	s3 =	rddreg [dreg:$0x2];
	[bflag:$0x3] =	sbarrier.arrive $0xFFFF;
	s2 =	simm.s32 @!p0 $0x1C06  }
0x463: {  	[timem:s3], [sflag:s2] =	dma.local @!p0 [hbm:s0], s1  }
0x464: {  	s0 =	simm.s32 @!p0 $0x6  }
0x465: {  	_ =	swait.ge @!p0 [sflag:s0], s1  }
0x466: {  	s1 =	ssub.s32 @!p0 $0x0, s1;
	[sflag:s0] =	ssyncset.done @!p0 $0x0  }
0x467: {  	[sflag:s0] =	ssyncadd.s32 @!p0 s1  }
0x468: {  	[bflag:$0x3] =	sbarrier.arrive $0xFFFF  }
0x469: {  	_ =	shalt  }

// kernel: sparse-core-data-format-call.cloned.1.call-start
scs
called_computation_lowered:
.L_overlay_start_0:
0x0: {  	s2 =	sld [smem:$0x3FD9]  }
0x1: {  	s3 =	sld [smem:$0x3FFE];
	_ =	sdelay $0x1  }
0x2: {  	s1 =	srdreg.scid  }
0x3: {  	s0 =	sand.u32 $0x1, s1  }
0x4: {  	s18 =	sshll.u32 s0, $0xA;
	s2 =	sadd.s32 s3, s2  }
0x5: {  	s2 =	sadd.s32 s2, s18  }
0x6: {  	[smem:$0x3FC6] =	sst s2  }
0x7: {  	_ = 	snop  }
0x8: {  	s2 =	sld [smem:$0x3FD0];
	(tm) =	ssettm $0x1  }
0x9: {  	s19 =	sld [smem:$0x3FFB];
	_ =	sdelay $0x3  }
0xa: {  	_ =	strace s19  }
0xb: {  	s3 =	sld [smem:$0x3FFC];
	_ =	sdelay $0x3  }
0xc: {  	_ =	strace s3  }
0xd: {  	s3 =	sld [smem:$0x3FFD];
	_ =	sdelay $0x3  }
0xe: {  	_ =	strace s3  }
0xf: {  	_ =	strace $0x8FFFFFFF  }
0x10: {  	s20 =	sld [smem:$0x3FDB];
	_ =	sdelay $0x1  }
0x11: {  	s4 =	simm.s32 $_scs_section_size  }
0x12: {  	s5 =	simm.s32 $_size__tile_overlayer_lowered;
	s6 =	simm.s32 $_tile_overlayer_lowered  }
0x13: {  	s23 =	simm.s32 $0x1BFF;
	s22 =	sshll.u32 s6, $0x1;
	s3 =	sadd.s32 s4, s20  }
0x14: {  	s7 =	simm.s32 $0x0;
	s21 =	sshll.u32 s5, $0x1;
	s5 =	sadd.s32 s22, s3  }
0x15: {  	[timem:s7], [sflag:s23] =	dma.local [hbm:s5], s21  }
0x16: {  	_ =	swait.ge [sflag:s23], s21  }
0x17: {  	s4 =	ssub.s32 $0x0, s21;
	[sflag:s23] =	ssyncset.done $0x0  }
0x18: {  	[sflag:s23] =	ssyncadd.s32 s4;
	_ =	sdelay $0x1  }
0x19: {  	s24 =	simm.s32 $0x1B8B  }
0x1a: {  	_ =	swait.ge [sflag:s24], $0x1  }
0x1b: {  	[sflag:s24] =	ssyncset.done $0x0  }
0x1c: {  	s26 =	simm.s32 $0x1B8E;
	s25 =	sld [smem:$0x3FFE];
	[sflag:s24] =	ssyncadd.s32 $0xFFFFFFFF  }
0x1d: {  	s27 =	simm.s32 $execute0_lowered;
	[smem:$0x3FD2] =	sst s26  }
0x1e: {  	s5 =	sshll.u32 s27, $0x1;
	_ =	strace $0x80000049;
	[dreg:$0x1] =	wrdreg $0xFFFFFFFF  }
0x1f: {  	s28 =	simm.s32 $_size_execute0_lowered;
	s3 =	sadd.s32 s3, s5;
	[dreg:$0x0] =	wrdreg $0x0  }
0x20: {  	s5 =	sshll.u32 s28, $0x1;
	[dreg:$0x2] =	wrdreg s3  }
0x21: {  	[dreg:$0x3] =	wrdreg s5  }
0x22: {  	[dreg:$0x4] =	wrdreg $0xC0  }
0x23: {  	_ =	task [dreg:s7], $0x5FFFF  }
0x24: {  	[dreg:$0x1] =	wrdreg $0xFFFFFFFF  }
0x25: {  	[dreg:$0x0] =	wrdreg $0x60  }
0x26: {  	[dreg:$0x2] =	wrdreg s25  }
0x27: {  	[dreg:$0x3] =	wrdreg s2  }
0x28: {  	[dreg:$0x4] =	wrdreg $0x9  }
0x29: {  	_ =	task.clear_ibuf [dreg:s7], $0x5FFFF;
	_ =	strace $0x90000049  }
0x2a: {  	s29 =	simm.s32 $0x9;
	_ =	strace $0x8000004B  }
0x2b: {  	_ =	swait.ge [sflag:s29], $0x1  }
0x2c: {  	[sflag:s29] =	ssyncadd.s32 $0xFFFFFFFF  }
0x2d: {  	_ =	strace $0x9000004B  }
0x2e: {  	_ =	sfence  }
0x2f: {  	s30 =	sld [smem:$0x0];
	_ =	sdelay $0x2  }
0x30: {  	s31 =	sshll.u32 s1, $0xD;
	s1 =	sshrl.u32 s1, $0x2  }
0x31: {  	s3 =	sand.u32 $0x4000, s31;
	s1 =	sadd.s32 s1, s30  }
0x32: {  	s0 =	sor.u32 s3, s0;
	s1 =	sshll.u32 s1, $0x11  }
0x33: {  	s0 =	sor.u32 s1, s0  }
0x34: {  	s0 =	sadd.s32 $0x8F2B, s0  }
0x35: {  	[sflag:s0] =	ssyncadd.remote.s32 $0x1  }
0x36: {  	_ =	sfence.sel $0xFFFF  }
0x37: {  	[dreg:$0x0] =	wrdreg $0xFFFFFFFF;
	(pc) =	sbr.abs _section_cstart, $3  }
0x38: {  	[dreg:$0x1] =	wrdreg $0xFFFFFFFF  }
0x39: {  	_ =	task.clear_ibuf [dreg:s7], $0x2FFFF;
	_ =	strace $0x9FFFFFFF  }
0x3a: {  	(tm) =	ssettm $0x7FFFFFFF  }
0x3b: {  	_ =	shalt  }
tec
execute0_lowered:
.L_overlay_start_1:
0x0: {  	(tag) =	ssettag $0x1  }
0x1: {  	s4 =	rddreg [dreg:$0x0]  }
0x2: {  	s0 =	stileid.u32;
	s2 =	rddreg [dreg:$0x1]  }
0x3: {  	s7 =	srdreg.scid;
	s31 =	simm.s32 $0x2;
	s17 =	simm.s32 $0x0  }
0x4: {  	s9 =	simm.s32 $0x2000;
	s19 =	simm.s32 $0x0;
	s18 =	simm.s32 $0x0  }
0x5: {  	s10 =	simm.s32 $0x0;
	s11 =	simm.s32 $0x0;
	s1 =	sshll.u32 s0, $0x7  }
0x6: {  	s12 =	simm.s32 $0x0;
	s14 =	simm.s32 $0x0;
	s3 =	sand.u32 $0x380, s1  }
0x7: {  	s16 =	simm.s32 $0x0;
	s4 =	sadd.s32 $0x4800, s4;
	s5 =	ssub.s32 $0x400, s3  }
0x8: {  	s8 =	sshll.u32 s0, $0x4;
	s7 =	sshll.u32 s7, $0x8;
	s6 =	sand.u32 $0x380, s5  }
0x9: {  	s1 =	rddreg [dreg:$0x2];
	p0 =	sne.s32 s6, $0x0;
	s6 =	simm.s32 $0x1  }
.Ltmp0:
0xa: {  	s5 =	sshrl.u32 s5, $0xA;
	s6 =	simm.s32 @!p0 $0x0;
	(pc) =	sbr.rel .LBB1_1-.Ltmp0, $4  }
0xb: {  	_ =	strace $0x8000004A;
	s7 =	sor.u32 s8, s7;
	s6 =	sadd.s32 s6, s5  }
0xc: {  	s7 =	sand.u32 $0x180, s7;
	s5 =	simm.s32 $0x1;
	s6 =	smul.u32 $0x64, s6  }
0xd: {  	s15 =	smov.u32 s3;
	s13 =	smov.u32 s7;
	[sflag:s5] =	ssyncpa.u1 $0x0  }
0xe: {  	p0 =	por $0x0, $0x0;
	[sflag:s31] =	ssyncpa.u1 $0x0;
	s8 =	sor.u32 $0x1, s6  }
.LBB1_4:
0xf: {  	s25 =	sshll.u32 s10, $0xA;
	s24 =	sshra.s32 s24, $0x2;
	s26 =	sshll.u32 s12, $0x3  }
0x10: {  	p1 =	sgt.s32 s11, $0x31;
	s27 =	smov.u32 s11;
	s28 =	sshra.s32 s11, $0x1F  }
0x11: {  	p2 =	sgt.s32 s12, $0x380;
	s31 =	sshra.s32 s12, $0x1F;
	s25 =	sand.u32 $0xFFFFE000, s25  }
0x12: {  	s26 =	sand.u32 $0xFFFFFC00, s26;
	s27 =	simm.s32 @!p1 $0x31;
	s28 =	sand.u32 s28, s11  }
0x13: {  	[tilespmem:s22+$0x2040 ss:$0x81] =	vst.msk $0xffff, v4;
	s23 =	sadd.s32 s24, s23;
	s29 =	sadd.s32 s26, s25;
	s25 =	ssub.s32 s27, s28  }
0x14: {  	[tilespmem:s22+$0x2850 ss:$0x81] =	vst.msk $0xffff, v3;
	s27 =	smov.u32 s12;
	s28 =	smov.u32 s10;
	s26 =	sand.u32 s31, s12  }
0x15: {  	[tilespmem:s22+$0x3060 ss:$0x81] =	vst.msk $0xffff, v2;
	s24 =	sshrl.u32 s29, $0xA;
	s30 =	sadd.s32 $0xFFFFFFCF, s25;
	s27 =	simm.s32 @!p2 $0x380  }
0x16: {  	v5 =	vld [tilespmem:s21+$0xFFFFFFD0];
	[tilespmem:s22+$0x0 ss:$0x81] =	vst.msk $0xffff, v1;
	p2 =	sgt.s32 s10, $0x368;
	s29 =	sshra.s32 s10, $0x1F;
	s22 =	ssub.s32 $0x32, s25  }
0x17: {  	v58 =	vld [tilespmem:s21+$0xFFFFFFE0];
	p1 =	sgt.s32 s30, $0x0;
	s28 =	simm.s32 @!p2 $0x368;
	s29 =	sand.u32 s29, s10  }
0x18: {  	v59 =	vld [tilespmem:s21+$0xFFFFFFF0];
	s26 =	ssub.s32 s27, s26;
	s27 =	smulhi.u32 $0x418938, s24;
	s28 =	ssub.s32 s28, s29  }
0x19: {  	v60 =	vld [tilespmem:s21+$0x0];
	s30 =	sadd.s32 $0xFFFFFC80, s26;
	s25 =	ssub.s32 $0x400, s26;
	s22 =	simm.s32 @p1 $0x0  }
0x1a: {  	v61 =	vld [tilespmem:s21+$0x10];
	[tilespmem:s23+$0x3870 ss:$0x81] =	vst.msk $0xffff, v0;
	s29 =	sand.u32 $0x78, s12;
	p2 =	sgt.s32 s30, $0x7F;
	s31 =	sadd.s32 $0xFFFFFC98, s28  }
0x1b: {  	v62 =	vld [tilespmem:s21+$0x20];
	[tilespmem:s23+$0x810 ss:$0x81] =	vst.msk $0xffff, v5;
	s27 =	smul.u32 $0x3E8, s27;
	s30 =	sshll.u32 s10, $0x7;
	s28 =	ssub.s32 $0x3E8, s28  }
0x1c: {  	v63 =	vld [tilespmem:s21+$0xFFFFFFC0];
	[tilespmem:s23+$0x1020 ss:$0x81] =	vst.msk $0xffff, v58;
	s25 =	simm.s32 @p2 $0x0;
	p1 =	sgt.s32 s31, $0x7F;
	s31 =	smul.u32 $0x1F400, s11  }
0x1d: {  	[tilespmem:s23+$0x1830 ss:$0x81] =	vst.msk $0xffff, v59;
	s21 =	sand.u32 $0x380, s30;
	s22 =	smul.u32 s25, s22;
	s28 =	simm.s32 @p1 $0x0  }
0x1e: {  	[tilespmem:s23+$0x2040 ss:$0x81] =	vst.msk $0xffff, v60;
	s21 =	sor.u32 s29, s21;
	s24 =	ssub.s32 s24, s27;
	s29 =	sand.u32 $0x7, s12  }
0x1f: {  	[tilespmem:s23+$0x2850 ss:$0x81] =	vst.msk $0xffff, v61;
	s21 =	sshrl.u32 s21, $0x3;
	s25 =	sadd.s32 s2, s31;
	s22 =	smul.u32 s28, s22  }
0x20: {  	[tilespmem:s23+$0x3060 ss:$0x81] =	vst.msk $0xffff, v62;
	s24 =	sshll.u32 s24, $0x7;
	s30 =	sshll.u32 s29, $0x12;
	s21 =	sadd.s32 s21, s25  }
0x21: {  	[tilespmem:s23+$0x0 ss:$0x81] =	vst.msk $0xffff, v63;
	s31 =	sor.u32 $0x400, s30;
	s21 =	sadd.s32 s24, s21;
	s22 =	sand.u32 $0x3FFFFFFF, s22  }
0x22: {  	[hbm4b:s21+s31] =	stream.strided.scatter [tilespmem:s20], [sflag:$0x2], s22, s9, s31, $0x20;
	[tilespmem:$0x10100] =	vst v63  }
.LBB1_5:
0x23: {  	p1 =	slt.u32 s16, $0x2  }
0x24: {  	p2 =	sgt.s32 @!p1 s19, $0x31  }
0x25: {  	s20 =	smov.u32 s19;
	s21 =	sshra.s32 @!p1 s19, $0x1F;
	p2 =	por !p2, p1  }
0x26: {  	s19 =	sand.u32 @!p1 s21, s19;
	s20 =	simm.s32 @p2 $0x31  }
0x27: {  	p3 =	sgt.s32 @!p1 s17, $0x368;
	s19 =	ssub.s32 @!p1 s20, s19  }
0x28: {  	p4 =	sgt.s32 @!p1 s18, $0x380;
	s22 =	sshra.s32 @!p1 s18, $0x1F;
	s20 =	sadd.s32 @!p1 $0xFFFFFFCF, s19  }
0x29: {  	s21 =	smov.u32 s17;
	p2 =	sgt.s32 @!p1 s20, $0x0;
	s20 =	sshra.s32 @!p1 s17, $0x1F  }
0x2a: {  	p4 =	por !p4, p1;
	s17 =	sand.u32 @!p1 s20, s17;
	s20 =	smov.u32 s18  }
0x2b: {  	p3 =	por !p3, p1;
	s18 =	sand.u32 @!p1 s22, s18;
	s20 =	simm.s32 @p4 $0x380  }
0x2c: {  	s21 =	simm.s32 @p3 $0x368;
	s19 =	ssub.s32 @!p1 $0x32, s19;
	s18 =	ssub.s32 @!p1 s20, s18  }
0x2d: {  	p2 =	por !p2, p1;
	s17 =	ssub.s32 @!p1 s21, s17;
	s21 =	sadd.s32 @!p1 $0xFFFFFC80, s18  }
0x2e: {  	s19 =	simm.s32 @!p2 $0x0;
	p3 =	sgt.s32 @!p1 s21, $0x7F  }
0x2f: {  	s20 =	sadd.s32 @!p1 $0xFFFFFC98, s17;
	s18 =	ssub.s32 @!p1 $0x400, s18;
	p3 =	por !p3, p1  }
0x30: {  	p2 =	sgt.s32 @!p1 s20, $0x7F;
	s20 =	sadd.s32 $0x200, s13;
	s18 =	simm.s32 @!p3 $0x0  }
0x31: {  	p3 =	sgt.s32 s20, $0x3E7;
	s18 =	smul.u32 @!p1 s18, s19;
	s19 =	simm.s32 $0x1  }
0x32: {  	s17 =	ssub.s32 @!p1 $0x3E8, s17;
	p2 =	por !p2, p1;
	s19 =	simm.s32 @!p3 $0x0  }
0x33: {  	s22 =	smov.u32 s15;
	s17 =	simm.s32 @!p2 $0x0;
	s21 =	sadd.s32 s19, s14  }
0x34: {  	s17 =	smul.u32 @!p1 s17, s18;
	s18 =	sadd.s32 $0x400, s15;
	p2 =	sgt.s32 s21, $0x31  }
0x35: {  	p0 =	por !p0, !p0;
	s23 =	simm.s32 @!p1 $0x2;
	s22 =	smov.u32 @p2 s18  }
0x36: {  	s20 =	smov.u32 @p3 s7;
	s21 =	simm.s32 @p2 $0x0;
	p2 =	sgt.s32 s22, $0x3FF  }
0x37: {  	s19 =	smov.u32 s11;
	s22 =	smov.u32 @p2 s3;
	p2 =	sne.s32 s16, s8  }
.Ltmp1:
0x38: {  	s11 =	smov.u32 s14;
	s17 =	sand.u32 @!p1 $0x3FFFFFFF, s17;
	(pc) =	sbr.rel @!p2 .LBB1_6-.Ltmp1, $4  }
0x39: {  	s18 =	smov.u32 s12;
	s12 =	smov.u32 s15;
	_ =	swait.ge @!p1 [sflag:s23], s17  }
0x3a: {  	s24 =	ssub.s32 @!p1 $0x0, s17;
	s17 =	smov.u32 s10;
	s10 =	smov.u32 s13  }
0x3b: {  	s13 =	smov.u32 s20;
	s14 =	smov.u32 s21;
	[sflag:s23] =	ssyncset.done @!p1 $0x0  }
0x3c: {  	s16 =	sadd.s32 $0x1, s16;
	[sflag:s23] =	ssyncadd.s32 @!p1 s24;
	s15 =	smov.u32 s22  }
.LBB1_1:
0x3d: {  	p1 =	sge.u32 s16, s6  }
0x3e: {  	s20 =	sshll.u32 @!p1 s14, $0xA  }
0x3f: {  	s21 =	sshll.u32 @!p1 s13, $0x3;
	s20 =	sand.u32 @!p1 $0xFFFFE000, s20  }
0x40: {  	s20 =	sadd.s32 @!p1 s20, s21  }
0x41: {  	s20 =	sshrl.u32 @!p1 s20, $0xA  }
0x42: {  	s21 =	smulhi.u32 @!p1 $0x4924925, s20  }
0x43: {  	s22 =	sshll.u32 @!p1 s14, $0x7;
	s24 =	smul.u32 @!p1 $0x1C00, s15  }
0x44: {  	s23 =	sand.u32 @!p1 $0x78, s13;
	s22 =	sand.u32 @!p1 $0x380, s22;
	s21 =	smul.u32 @!p1 $0x38, s21  }
0x45: {  	s31 =	sadd.s32 $0xFFFFFFFF, s16;
	s22 =	sor.u32 @!p1 s23, s22;
	s23 =	sadd.s32 @!p1 s4, s24  }
0x46: {  	s22 =	sshrl.u32 @!p1 s22, $0x3;
	s20 =	ssub.s32 @!p1 s20, s21;
	s21 =	sxor.u32 @!p1 $0xFFFFFFFF, s16  }
0x47: {  	s22 =	sadd.s32 @!p1 s22, s23;
	s23 =	sand.u32 @!p1 $0x7, s13;
	s21 =	sshll.u32 @!p1 s21, $0xE  }
0x48: {  	s23 =	sshll.u32 @!p1 s23, $0x12;
	s20 =	sshll.u32 @!p1 s20, $0x7;
	s21 =	sand.u32 @!p1 $0x4000, s21  }
0x49: {  	s20 =	sadd.s32 @!p1 s20, s22;
	s22 =	sor.u32 @!p1 $0x80, s23;
	s23 =	simm.s32 @!p1 $0xE000  }
0x4a: {  	[tilespmem:s21], [sflag:$0x1] =	stream.strided.gather @!p1 [hbm4b:s20+s22], $0x4000, s23, s22, $0x38;
	[tilespmem:$0x10100] =	vst v63  }
0x4b: {  	p1 =	sge.u32 s31, s6  }
.Ltmp2:
0x4c: {  	_ = 	snop;
	(pc) =	sbr.rel @p1 .LBB1_5-.Ltmp2, $1  }
0x4d: {  	_ =	sdelay $0x3  }
0x4e: {  	s20 =	simm.s32 $0x1  }
0x4f: {  	_ =	swait.ge [sflag:s5], $0x4000;
	s20 =	simm.s32 @!p0 $0x0  }
0x50: {  	[sflag:s5] =	ssyncset.done $0x0;
	s21 =	sshll.u32 s20, $0xE  }
0x51: {  	[sflag:s5] =	ssyncadd.s32 $0xFFFFC000;
	s21 =	sor.u32 $0x40, s21  }
0x52: {  	s20 =	smul.u32 $0x10200, s20;
	v0 =	vld [tilespmem:s21+$0x30]  }
0x53: {  	v1 =	vld [tilespmem:s21+$0xFFFFFFD0]  }
0x54: {  	s20 =	sshrl.u32 s20, $0x2;
	v5 =	vld [tilespmem:s21+$0xFFFFFFE0]  }
0x55: {  	v6 =	vld [tilespmem:s21+$0xFFFFFFF0];
	s23 =	sor.u32 $0x8000, s20  }
0x56: {  	s31 =	sand.u32 $0x1, s16;
	v4 =	vld [tilespmem:s21+$0x0];
	s22 =	sadd.s32 $0x0, s23  }
0x57: {  	v3 =	vld [tilespmem:s21+$0x10];
	s20 =	smul.u32 $0x10200, s31;
	[tilespmem:s22+$0x3870 ss:$0x81] =	vst.msk $0xffff, v0  }
0x58: {  	v2 =	vld [tilespmem:s21+$0x20];
	[tilespmem:s22+$0x810 ss:$0x81] =	vst.msk $0xffff, v1  }
0x59: {  	s20 =	sshrl.u32 s20, $0x2;
	v1 =	vld [tilespmem:s21+$0xFFFFFFC0];
	[tilespmem:s22+$0x1020 ss:$0x81] =	vst.msk $0xffff, v5;
	s21 =	sadd.s32 $0x80, s21  }
0x5a: {  	s24 =	simm.s32 $0x4;
	s25 =	simm.s32 $0x8;
	s20 =	sor.u32 $0x8000, s20;
	[tilespmem:s22+$0x1830 ss:$0x81] =	vst.msk $0xffff, v6;
	v0 =	vld [tilespmem:s21+$0x30]  }
.LBB1_3:
0x5b: {  	p1 =	sne.s32 s25, $0x1FC;
	v5 =	vld [tilespmem:s21+$0xFFFFFFD0];
	[tilespmem:s22+$0x2040 ss:$0x81] =	vst.msk $0xffff, v4  }
0x5c: {  	v6 =	vld [tilespmem:s21+$0xFFFFFFE0];
	[tilespmem:s22+$0x2850 ss:$0x81] =	vst.msk $0xffff, v3  }
0x5d: {  	s26 =	sshra.s32 s24, $0x2;
	s24 =	smov.u32 s25;
	v7 =	vld [tilespmem:s21+$0xFFFFFFF0];
	[tilespmem:s22+$0x3060 ss:$0x81] =	vst.msk $0xffff, v2  }
.Ltmp3:
0x5e: {  	v4 =	vld [tilespmem:s21+$0x0];
	[tilespmem:s22+$0x0 ss:$0x81] =	vst.msk $0xffff, v1;
	s22 =	sadd.s32 s26, s23;
	(pc) =	sbr.rel @p1 .LBB1_3-.Ltmp3, $4  }
0x5f: {  	v3 =	vld [tilespmem:s21+$0x10];
	[tilespmem:s22+$0x3870 ss:$0x81] =	vst.msk $0xffff, v0  }
0x60: {  	[tilespmem:s22+$0x810 ss:$0x81] =	vst.msk $0xffff, v5;
	v2 =	vld [tilespmem:s21+$0x20]  }
0x61: {  	v1 =	vld [tilespmem:s21+$0xFFFFFFC0];
	[tilespmem:s22+$0x1020 ss:$0x81] =	vst.msk $0xffff, v6;
	s21 =	sadd.s32 $0x80, s21  }
0x62: {  	s25 =	sadd.s32 $0x4, s25;
	v0 =	vld [tilespmem:s21+$0x30];
	[tilespmem:s22+$0x1830 ss:$0x81] =	vst.msk $0xffff, v7  }
.Ltmp4:
0x63: {  	_ = 	snop;
	(pc) =	sbr.rel .LBB1_4-.Ltmp4, $1  }
0x64: {  	_ =	sdelay $0x3  }
.LBB1_6:
0x65: {  	_ =	sfence.sel $0x180000  }
0x66: {  	s2 =	simm.s32 $0x1;
	[bflag:$0x0] =	sbarrier.arrive $0xFFFF  }
0x67: {  	s31 =	simm.s32 $0x2;
	[sflag:s2] =	ssyncpa.u1 $0x1  }
0x68: {  	[sflag:s31] =	ssyncpa.u1 $0x1  }
0x69: {  	p0 =	sne.s32 s0, $0x0;
	_ =	strace $0x9000004A  }
0x6a: {  	s0 =	sadd.s32 @!p0 $0x100000, s1;
	[bflag:$0x2] =	sbarrier.arrive $0xFFFF  }
0x6b: {  	[sflag:s0] =	ssyncadd.tile.s32 @!p0 $0x1;
	_ =	shalt  }
.Lfunc_end1:
_tile_overlayer_lowered:
.L_overlay_start_2:
0x6c: {  	(tag) =	ssettag $0x2  }
0x6d: {  	s0 =	rddreg [dreg:$0x0];
	s2 =	stileid.u32  }
0x6e: {  	s1 =	rddreg [dreg:$0x1];
	p0 =	sne.s32 s2, $0x0  }
0x6f: {  	s3 =	rddreg [dreg:$0x2];
	[bflag:$0x3] =	sbarrier.arrive $0xFFFF;
	s2 =	simm.s32 @!p0 $0x1C01  }
0x70: {  	[timem:s3], [sflag:s2] =	dma.local @!p0 [hbm:s0], s1  }
0x71: {  	s0 =	simm.s32 @!p0 $0x1  }
0x72: {  	_ =	swait.ge @!p0 [sflag:s0], s1  }
0x73: {  	s1 =	ssub.s32 @!p0 $0x0, s1;
	[sflag:s0] =	ssyncset.done @!p0 $0x0  }
0x74: {  	[sflag:s0] =	ssyncadd.s32 @!p0 s1  }
0x75: {  	[bflag:$0x3] =	sbarrier.arrive $0xFFFF  }
0x76: {  	_ =	shalt  }

</sc_bundles>
